<compile_context>
chip_gen: v7x
topology: tpu7x:2x2x1
jax: 0.10.2.dev20260603
libtpu: 0.0.44.dev20260713+nightly
codegen_flags: <defaults>
</compile_context>

<pallas_src>
import jax
import jax.numpy as jnp
from jax import lax
from jax.experimental import pallas as pl
from jax.experimental.pallas import tpu as pltpu
from jax.experimental.pallas import tpu_sc as plsc

DM = 1024
DI = 1024
NE = 64
NT = 2048
CAP = 256
BUF_ROWS = NE * CAP + CAP

NW = 32
TPW = NT // NW


GB = 512


def _gate_body(x_ref, wg_ref, bg_ref, sc1_ref, sc2_ref,
               d1_ref, d2_ref, s1_ref, s2_ref, cnt_ref, carry_ref):
    g = pl.program_id(0)

    @pl.when(g == 0)
    def _():
        carry_ref[...] = jnp.zeros((1, NE), jnp.float32)

    x = x_ref[...]
    logits = jax.lax.dot_general(
        x, wg_ref[...], (((1,), (0,)), ((), ())),
        preferred_element_type=jnp.float32) + bg_ref[...]
    ii = lax.broadcasted_iota(jnp.int32, (GB, NE), 1)
    v1 = jnp.max(logits, axis=1, keepdims=True)
    e1 = jnp.min(jnp.where(logits == v1, ii, NE + 1), axis=1, keepdims=True)
    l2 = jnp.where(ii == e1, -jnp.inf, logits)
    v2 = jnp.max(l2, axis=1, keepdims=True)
    e2 = jnp.min(jnp.where(l2 == v2, ii, NE + 1), axis=1, keepdims=True)
    t = jnp.exp(v2 - v1)
    s1 = 1.0 / (1.0 + t)
    s2 = 1.0 - s1
    oh1 = (ii == e1).astype(jnp.float32)
    oh2 = (ii == e2).astype(jnp.float32)
    m = oh1 + oh2
    r_i = lax.broadcasted_iota(jnp.int32, (GB, GB), 0)
    c_i = lax.broadcasted_iota(jnp.int32, (GB, GB), 1)
    ltri = (c_i < r_i).astype(jnp.float32)
    carry = carry_ref[...]
    pex = jax.lax.dot_general(
        ltri, m, (((1,), (0,)), ((), ())),
        preferred_element_type=jnp.float32) + carry
    new_carry = carry + jnp.sum(m, axis=0, keepdims=True)
    carry_ref[...] = new_carry
    r1 = jnp.sum(pex * oh1, axis=1, keepdims=True).astype(jnp.int32)
    r2 = jnp.sum(pex * oh2, axis=1, keepdims=True).astype(jnp.int32)
    ok1 = r1 < CAP
    ok2 = r2 < CAP
    row1 = e1 * CAP + r1
    row2 = e2 * CAP + r2
    sc1_ref[...] = jnp.where(ok1, s1, 0.0)
    sc2_ref[...] = jnp.where(ok2, s2, 0.0)
    d1_ref[...] = jnp.squeeze(jnp.where(ok1, row1, NE * CAP), 1)
    d2_ref[...] = jnp.squeeze(jnp.where(ok2, row2, NE * CAP), 1)
    s1_ref[...] = jnp.squeeze(e1 * CAP + jnp.minimum(r1, CAP - 1), 1)
    s2_ref[...] = jnp.squeeze(e2 * CAP + jnp.minimum(r2, CAP - 1), 1)
    cnt_ref[...] = new_carry.astype(jnp.int32)


def _gate(x, wg, bg):
    ng = NT // GB
    flat_i = jax.ShapeDtypeStruct((NT,), jnp.int32)
    col_f = jax.ShapeDtypeStruct((NT, 1), jnp.float32)
    col_spec = pl.BlockSpec((GB, 1), lambda g: (g, 0))
    flat_spec = pl.BlockSpec((GB,), lambda g: (g,))
    return pl.pallas_call(
        _gate_body,
        grid=(ng,),
        in_specs=[
            pl.BlockSpec((GB, DM), lambda g: (g, 0)),
            pl.BlockSpec((DM, NE), lambda g: (0, 0)),
            pl.BlockSpec((1, NE), lambda g: (0, 0)),
        ],
        out_specs=(col_spec, col_spec, flat_spec, flat_spec,
                   flat_spec, flat_spec, pl.BlockSpec((1, NE), lambda g: (0, 0))),
        out_shape=(col_f, col_f, flat_i, flat_i, flat_i, flat_i,
                   jax.ShapeDtypeStruct((1, NE), jnp.int32)),
        scratch_shapes=[pltpu.VMEM((1, NE), jnp.float32)],
    )(x, wg, bg.reshape(1, NE))


def _dispatch_body(x_hbm, d1_hbm, d2_hbm, buf_hbm, idx_v, rows_v, sem):
    wid = lax.axis_index("s") * 2 + lax.axis_index("c")
    base = wid * TPW
    pltpu.sync_copy(x_hbm.at[pl.ds(base, TPW)], rows_v)
    pltpu.sync_copy(d1_hbm.at[pl.ds(base, TPW)], idx_v)
    pltpu.async_copy(rows_v, buf_hbm.at[idx_v], sem).wait()
    pltpu.sync_copy(d2_hbm.at[pl.ds(base, TPW)], idx_v)
    pltpu.async_copy(rows_v, buf_hbm.at[idx_v], sem).wait()


def _dispatch(x, d1, d2):
    mesh = plsc.VectorSubcoreMesh(core_axis_name="c", subcore_axis_name="s")
    return pl.kernel(
        _dispatch_body,
        mesh=mesh,
        out_type=jax.ShapeDtypeStruct((BUF_ROWS, DM), jnp.float32),
        scratch_types=[
            pltpu.VMEM((TPW,), jnp.int32),
            pltpu.VMEM((TPW, DM), jnp.float32),
            pltpu.SemaphoreType.DMA,
        ],
    )(x, d1, d2)


RT = 64
NST = CAP // RT



def _ffn_body(cnt_ref, buf_hbm, w1_ref, b1_ref, w2_ref, b2_ref, y_hbm,
              xb_v, y_v, lsem, ssem):
    e = pl.program_id(0)
    slot = lax.rem(e, 2)

    def ld(ee, s, j):
        return pltpu.make_async_copy(
            buf_hbm.at[pl.ds(ee * CAP + j * RT, RT), :],
            xb_v.at[s, pl.ds(j * RT, RT), :], lsem.at[s, j])

    def st(ee, s, j):
        return pltpu.make_async_copy(
            y_v.at[s, pl.ds(j * RT, RT), :],
            y_hbm.at[pl.ds(ee * CAP + j * RT, RT), :], ssem.at[s, j])

    def issue_loads(ee, s):
        cn = cnt_ref[0, ee]
        for j in range(NST):
            @pl.when(cn > j * RT)
            def _(j=j):
                ld(ee, s, j).start()

    @pl.when(e == 0)
    def _():
        issue_loads(0, 0)

    @pl.when(e + 1 < NE)
    def _():
        issue_loads(e + 1, 1 - slot)

    @pl.when(e >= 2)
    def _():
        cp = cnt_ref[0, e - 2]
        for j in range(NST):
            @pl.when(cp > j * RT)
            def _(j=j):
                st(e - 2, slot, j).wait()

    cnt = cnt_ref[0, e]
    for j in range(NST):
        @pl.when(cnt > j * RT)
        def _(j=j):
            ld(e, slot, j).wait()
            h = jax.lax.dot_general(
                xb_v[slot, pl.ds(j * RT, RT), :], w1_ref[0],
                (((1,), (0,)), ((), ())),
                preferred_element_type=jnp.float32) + b1_ref[pl.ds(e, 1), :]
            h = jnp.maximum(h, 0.0)
            y = jax.lax.dot_general(
                h, w2_ref[0], (((1,), (0,)), ((), ())),
                preferred_element_type=jnp.float32) + b2_ref[pl.ds(e, 1), :]
            y_v[slot, pl.ds(j * RT, RT), :] = y
            st(e, slot, j).start()

    @pl.when(e == NE - 1)
    def _():
        for ee in (NE - 2, NE - 1):
            cp = cnt_ref[0, ee]
            for j in range(NST):
                @pl.when(cp > j * RT)
                def _(ee=ee, j=j):
                    st(ee, ee % 2, j).wait()


def _ffn(cnt, buf, w1, b1, w2, b2):
    return pl.pallas_call(
        _ffn_body,
        grid=(NE,),
        in_specs=[
            pl.BlockSpec(memory_space=pltpu.SMEM),
            pl.BlockSpec(memory_space=pl.ANY),
            pl.BlockSpec((1, DM, DI), lambda e: (e, 0, 0)),
            pl.BlockSpec((NE, DI), lambda e: (0, 0)),
            pl.BlockSpec((1, DI, DM), lambda e: (e, 0, 0)),
            pl.BlockSpec((NE, DM), lambda e: (0, 0)),
        ],
        out_specs=pl.BlockSpec(memory_space=pl.ANY),
        out_shape=jax.ShapeDtypeStruct((NE * CAP, DM), jnp.float32),
        scratch_shapes=[
            pltpu.VMEM((2, CAP, DM), jnp.float32),
            pltpu.VMEM((2, CAP, DM), jnp.float32),
            pltpu.SemaphoreType.DMA((2, NST)),
            pltpu.SemaphoreType.DMA((2, NST)),
        ],
    )(cnt, buf, w1, b1, w2, b2)


def _cgather_body(y_hbm, s1_hbm, s2_hbm, g1_hbm, g2_hbm, idx_v, rows_v, sem):
    wid = lax.axis_index("s") * 2 + lax.axis_index("c")
    base = wid * TPW
    pltpu.sync_copy(s1_hbm.at[pl.ds(base, TPW)], idx_v)
    pltpu.async_copy(y_hbm.at[idx_v], rows_v, sem).wait()
    pltpu.sync_copy(rows_v, g1_hbm.at[pl.ds(base, TPW)])
    pltpu.sync_copy(s2_hbm.at[pl.ds(base, TPW)], idx_v)
    pltpu.async_copy(y_hbm.at[idx_v], rows_v, sem).wait()
    pltpu.sync_copy(rows_v, g2_hbm.at[pl.ds(base, TPW)])


def _cgather(y, s1, s2):
    mesh = plsc.VectorSubcoreMesh(core_axis_name="c", subcore_axis_name="s")
    out = jax.ShapeDtypeStruct((NT, DM), jnp.float32)
    return pl.kernel(
        _cgather_body,
        mesh=mesh,
        out_type=(out, out),
        scratch_types=[
            pltpu.VMEM((TPW,), jnp.int32),
            pltpu.VMEM((TPW, DM), jnp.float32),
            pltpu.SemaphoreType.DMA,
        ],
    )(y, s1, s2)


def _combine_body(x_ref, g1_ref, g2_ref, sc1_ref, sc2_ref, o_ref):
    o_ref[...] = (x_ref[...] + sc1_ref[...] * g1_ref[...]
                  + sc2_ref[...] * g2_ref[...])


CB = 256


def _combine(x, g1, g2, sc1, sc2):
    row_spec = pl.BlockSpec((CB, DM), lambda i: (i, 0))
    col_spec = pl.BlockSpec((CB, 1), lambda i: (i, 0))
    return pl.pallas_call(
        _combine_body,
        grid=(NT // CB,),
        in_specs=[row_spec, row_spec, row_spec, col_spec, col_spec],
        out_specs=row_spec,
        out_shape=jax.ShapeDtypeStruct((NT, DM), jnp.float32),
    )(x, g1, g2, sc1, sc2)


def kernel(x, Wg, bg, W1, b1, W2, b2):
    (sc1, sc2, d1, d2, s1, s2, cnt) = _gate(x, Wg, bg)
    buf = _dispatch(x, d1, d2)
    y = _ffn(cnt, buf, W1, b1, W2, b2)
    g1, g2 = _cgather(y, s1, s2)
    return _combine(x, g1, g2, sc1, sc2)

# --- scband reference (transcript-rebuilt; emitter-appended) ---
"""Pipeline reference for scband-mo-ead-43611097924200 (READ-ONLY COPY).

The authoritative reference and input builder live on the scoring server;
editing this copy changes nothing except your own understanding.
"""

import jax, jax.numpy as jnp
import numpy as np

D_MODEL = 1024
D_INNER = 1024
N_EXPERT = 64
TOP_K = 2
N_TOK = 2048
CAPACITY = 256  # 4x mean load per expert (mean = N_TOK*TOP_K/N_EXPERT = 64); overflow probability negligible


def setup_inputs(seed: int = 0) -> dict:
    key = jax.random.key(seed)
    ks = jax.random.split(key, 6)
    x = jax.random.normal(ks[0], (N_TOK, D_MODEL), dtype=jnp.float32)
    Wg = jax.random.normal(ks[1], (D_MODEL, N_EXPERT), dtype=jnp.float32) / np.sqrt(D_MODEL)
    bg = jnp.zeros((N_EXPERT,), dtype=jnp.float32)
    W1 = jax.random.normal(ks[2], (N_EXPERT, D_MODEL, D_INNER), dtype=jnp.float32) / np.sqrt(D_MODEL)
    b1 = jnp.zeros((N_EXPERT, D_INNER), dtype=jnp.float32)
    W2 = jax.random.normal(ks[3], (N_EXPERT, D_INNER, D_MODEL), dtype=jnp.float32) / np.sqrt(D_INNER)
    b2 = jnp.zeros((N_EXPERT, D_MODEL), dtype=jnp.float32)
    return {"x": x, "Wg": Wg, "bg": bg, "W1": W1, "b1": b1, "W2": W2, "b2": b2}


def _moe_forward(x, Wg, bg, W1, b1, W2, b2):
    # CustomizedMoEPositionwiseFF with pre_lnorm=False, dropout=0:
    #   core = FMoETransformerMLP(x); out = x + core
    # NaiveGate: logits = Linear(x); topk vals/idx; scores = softmax(topk vals)
    T, d = x.shape
    E = Wg.shape[1]
    k = TOP_K
    logits = x @ Wg + bg                                   # [T, E]
    gate_val, gate_idx = jax.lax.top_k(logits, k)          # [T, k]
    gate_score = jax.nn.softmax(gate_val, axis=-1)         # [T, k]
    # --- dispatch (sort assignments by expert, scatter into capacity buffer) ---
    flat_e = gate_idx.reshape(-1)                          # [T*k]
    order = jnp.argsort(flat_e)                            # stable
    sorted_e = flat_e[order]
    counts = jnp.bincount(flat_e, length=E)
    offsets = jnp.concatenate([jnp.zeros((1,), counts.dtype), jnp.cumsum(counts)[:-1]])
    ranks_sorted = jnp.arange(T * k) - offsets[sorted_e]   # rank within expert
    token_sorted = order // k
    x_sorted = x[token_sorted]                             # gather tokens
    valid = ranks_sorted < CAPACITY
    r = jnp.minimum(ranks_sorted, CAPACITY - 1)
    buf = jnp.zeros((E, CAPACITY, d), x.dtype).at[sorted_e, r].add(
        jnp.where(valid[:, None], x_sorted, 0.0))          # scatter-add dispatch
    # --- expert FFN: Linear -> ReLU (Dropout(0) is identity) -> Linear ---
    h = jax.nn.relu(jnp.einsum('ecd,edh->ech', buf, W1) + b1[:, None, :])
    y = jnp.einsum('ech,ehd->ecd', h, W2) + b2[:, None, :]
    # --- combine: gather expert outputs back per assignment ---
    ranks = jnp.zeros((T * k,), ranks_sorted.dtype).at[order].set(ranks_sorted)
    gathered = y[flat_e, jnp.minimum(ranks, CAPACITY - 1)] # [T*k, d]
    gathered = jnp.where((ranks < CAPACITY)[:, None], gathered, 0.0)
    core = (gathered.reshape(T, k, d) * gate_score[..., None]).sum(axis=1)
    return x + core                                        # residual (post-norm variant, dropout=0)


def reference(x, Wg, bg, W1, b1, W2, b2):
    return _moe_forward(x, Wg, bg, W1, b1, W2, b2)

if __name__ == "__main__":
    import jax
    _d = setup_inputs()
    print(jax.jit(kernel)(*tuple(_d.values())))

</pallas_src>

<mosaic_0001>
#map = affine_map<(d0, d1) -> (0, 0)>
#map1 = affine_map<(d0, d1) -> (0)>
module attributes {stable_mosaic.version = 14 : i64} {
  func.func @_dispatch_body(%arg0: i32, %arg1: i32, %arg2: memref<2048x1024xf32, #tpu.memory_space<hbm>>, %arg3: memref<2048xi32, #tpu.memory_space<hbm>>, %arg4: memref<2048xi32, #tpu.memory_space<hbm>>, %arg5: memref<16640x1024xf32, #tpu.memory_space<hbm>>, %arg6: memref<64xi32, #tpu.memory_space<vmem>>, %arg7: memref<64x1024xf32, #tpu.memory_space<vmem>>, %arg8: memref<!tpu.dma_semaphore, #tpu.memory_space<semaphore_mem>>) attributes {dimension_semantics = [#tpu.dimension_semantics<core_parallel>, #tpu.dimension_semantics<subcore_parallel>], iteration_bounds = array<i64: 2, 16>, scalar_prefetch = 0 : i64, scratch_operands = 3 : i64, tpu.core_type = #tpu.core_type<sc_vector_subcore>, window_params = [{transform_indices = #map}, {transform_indices = #map1}, {transform_indices = #map1}, {transform_indices = #map}]} {
    %mul3A = arith.constant 2 : i32
    %mul3A_0 = arith.muli %arg1, %mul3A : i32
    %add3A = arith.addi %mul3A_0, %arg0 : i32
    %mul3A_1 = arith.constant 64 : i32
    %mul3A_2 = arith.muli %add3A, %mul3A_1 : i32
    "tpu.region"() ({
      %run_scoped3A = tpu.sem_alloc : memref<!tpu.dma_semaphore, #tpu.memory_space<semaphore_mem>>
      %dma_start3A_13 = arith.constant 0 : i32
      %dma_start3A_14 = tpu.memref_slice %arg2[%mul3A_2, %dma_start3A_13] : memref<2048x1024xf32, #tpu.memory_space<hbm>> -> memref<64x1024xf32, #tpu.memory_space<hbm>>
      %dma_start3A_15 = arith.constant 0 : i32
      %dma_start3A_16 = tpu.memref_slice %arg2[%mul3A_2, %dma_start3A_15] : memref<2048x1024xf32, #tpu.memory_space<hbm>> -> memref<64x1024xf32, #tpu.memory_space<hbm>>
      tpu.enqueue_dma source(%dma_start3A_16 : memref<64x1024xf32, #tpu.memory_space<hbm>>) target(%arg7 : memref<64x1024xf32, #tpu.memory_space<vmem>>) target_semaphore(%run_scoped3A : memref<!tpu.dma_semaphore, #tpu.memory_space<semaphore_mem>>)
      %dma_wait3A_17 = arith.constant 0 : i32
      %dma_wait3A_18 = tpu.memref_slice %arg2[%mul3A_2, %dma_wait3A_17] : memref<2048x1024xf32, #tpu.memory_space<hbm>> -> memref<64x1024xf32, #tpu.memory_space<hbm>>
      %dma_wait3A_19 = arith.constant 0 : i32
      %dma_wait3A_20 = tpu.memref_slice %arg2[%mul3A_2, %dma_wait3A_19] : memref<2048x1024xf32, #tpu.memory_space<hbm>> -> memref<64x1024xf32, #tpu.memory_space<hbm>>
      tpu.wait_dma2 semaphore(%run_scoped3A : memref<!tpu.dma_semaphore, #tpu.memory_space<semaphore_mem>>) src(%dma_wait3A_20 : memref<64x1024xf32, #tpu.memory_space<hbm>>) dst(%arg7 : memref<64x1024xf32, #tpu.memory_space<vmem>>)
      tpu.yield
    }) : () -> ()
    "tpu.region"() ({
      %run_scoped3A = tpu.sem_alloc : memref<!tpu.dma_semaphore, #tpu.memory_space<semaphore_mem>>
      %dma_start3A_13 = tpu.memref_slice %arg3[%mul3A_2] : memref<2048xi32, #tpu.memory_space<hbm>> -> memref<64xi32, #tpu.memory_space<hbm>>
      %dma_start3A_14 = tpu.memref_slice %arg3[%mul3A_2] : memref<2048xi32, #tpu.memory_space<hbm>> -> memref<64xi32, #tpu.memory_space<hbm>>
      tpu.enqueue_dma source(%dma_start3A_14 : memref<64xi32, #tpu.memory_space<hbm>>) target(%arg6 : memref<64xi32, #tpu.memory_space<vmem>>) target_semaphore(%run_scoped3A : memref<!tpu.dma_semaphore, #tpu.memory_space<semaphore_mem>>)
      %dma_wait3A_15 = tpu.memref_slice %arg3[%mul3A_2] : memref<2048xi32, #tpu.memory_space<hbm>> -> memref<64xi32, #tpu.memory_space<hbm>>
      %dma_wait3A_16 = tpu.memref_slice %arg3[%mul3A_2] : memref<2048xi32, #tpu.memory_space<hbm>> -> memref<64xi32, #tpu.memory_space<hbm>>
      tpu.wait_dma2 semaphore(%run_scoped3A : memref<!tpu.dma_semaphore, #tpu.memory_space<semaphore_mem>>) src(%dma_wait3A_16 : memref<64xi32, #tpu.memory_space<hbm>>) dst(%arg6 : memref<64xi32, #tpu.memory_space<vmem>>)
      tpu.yield
    }) : () -> ()
    %dma_start3A = arith.constant 0 : i32
    %dma_start3A_3 = arith.constant 0 : i32
    %dma_start3A_4 = tpu.memref_slice %arg5[%dma_start3A, %dma_start3A_3] : memref<16640x1024xf32, #tpu.memory_space<hbm>> -> memref<16640x1024xf32, #tpu.memory_space<hbm>>
    tpu.enqueue_indirect_dma source(%arg7 : memref<64x1024xf32, #tpu.memory_space<vmem>>) target(%dma_start3A_4 : memref<16640x1024xf32, #tpu.memory_space<hbm>>) offsets(%arg6 : memref<64xi32, #tpu.memory_space<vmem>>) semaphore(%arg8 : memref<!tpu.dma_semaphore, #tpu.memory_space<semaphore_mem>>)
    %dma_wait3A = arith.constant 0 : i32
    %dma_wait3A_5 = arith.constant 0 : i32
    %dma_wait3A_6 = tpu.memref_slice %arg5[%dma_wait3A, %dma_wait3A_5] : memref<16640x1024xf32, #tpu.memory_space<hbm>> -> memref<16640x1024xf32, #tpu.memory_space<hbm>>
    tpu.wait_indirect_dma semaphore(%arg8 : memref<!tpu.dma_semaphore, #tpu.memory_space<semaphore_mem>>) src(%arg7 : memref<64x1024xf32, #tpu.memory_space<vmem>>) dst(%dma_wait3A_6 : memref<16640x1024xf32, #tpu.memory_space<hbm>>)
    "tpu.region"() ({
      %run_scoped3A = tpu.sem_alloc : memref<!tpu.dma_semaphore, #tpu.memory_space<semaphore_mem>>
      %dma_start3A_13 = tpu.memref_slice %arg4[%mul3A_2] : memref<2048xi32, #tpu.memory_space<hbm>> -> memref<64xi32, #tpu.memory_space<hbm>>
      %dma_start3A_14 = tpu.memref_slice %arg4[%mul3A_2] : memref<2048xi32, #tpu.memory_space<hbm>> -> memref<64xi32, #tpu.memory_space<hbm>>
      tpu.enqueue_dma source(%dma_start3A_14 : memref<64xi32, #tpu.memory_space<hbm>>) target(%arg6 : memref<64xi32, #tpu.memory_space<vmem>>) target_semaphore(%run_scoped3A : memref<!tpu.dma_semaphore, #tpu.memory_space<semaphore_mem>>)
      %dma_wait3A_15 = tpu.memref_slice %arg4[%mul3A_2] : memref<2048xi32, #tpu.memory_space<hbm>> -> memref<64xi32, #tpu.memory_space<hbm>>
      %dma_wait3A_16 = tpu.memref_slice %arg4[%mul3A_2] : memref<2048xi32, #tpu.memory_space<hbm>> -> memref<64xi32, #tpu.memory_space<hbm>>
      tpu.wait_dma2 semaphore(%run_scoped3A : memref<!tpu.dma_semaphore, #tpu.memory_space<semaphore_mem>>) src(%dma_wait3A_16 : memref<64xi32, #tpu.memory_space<hbm>>) dst(%arg6 : memref<64xi32, #tpu.memory_space<vmem>>)
      tpu.yield
    }) : () -> ()
    %dma_start3A_7 = arith.constant 0 : i32
    %dma_start3A_8 = arith.constant 0 : i32
    %dma_start3A_9 = tpu.memref_slice %arg5[%dma_start3A_7, %dma_start3A_8] : memref<16640x1024xf32, #tpu.memory_space<hbm>> -> memref<16640x1024xf32, #tpu.memory_space<hbm>>
    tpu.enqueue_indirect_dma source(%arg7 : memref<64x1024xf32, #tpu.memory_space<vmem>>) target(%dma_start3A_9 : memref<16640x1024xf32, #tpu.memory_space<hbm>>) offsets(%arg6 : memref<64xi32, #tpu.memory_space<vmem>>) semaphore(%arg8 : memref<!tpu.dma_semaphore, #tpu.memory_space<semaphore_mem>>)
    %dma_wait3A_10 = arith.constant 0 : i32
    %dma_wait3A_11 = arith.constant 0 : i32
    %dma_wait3A_12 = tpu.memref_slice %arg5[%dma_wait3A_10, %dma_wait3A_11] : memref<16640x1024xf32, #tpu.memory_space<hbm>> -> memref<16640x1024xf32, #tpu.memory_space<hbm>>
    tpu.wait_indirect_dma semaphore(%arg8 : memref<!tpu.dma_semaphore, #tpu.memory_space<semaphore_mem>>) src(%arg7 : memref<64x1024xf32, #tpu.memory_space<vmem>>) dst(%dma_wait3A_12 : memref<16640x1024xf32, #tpu.memory_space<hbm>>)
    return
  }
}

#map = affine_map<(d0, d1) -> (0, 0)>
#map1 = affine_map<(d0, d1) -> (0)>
module attributes {stable_mosaic.version = 14 : i64} {
  func.func @_cgather_body(%arg0: i32, %arg1: i32, %arg2: memref<16384x1024xf32, #tpu.memory_space<hbm>>, %arg3: memref<2048xi32, #tpu.memory_space<hbm>>, %arg4: memref<2048xi32, #tpu.memory_space<hbm>>, %arg5: memref<2048x1024xf32, #tpu.memory_space<hbm>>, %arg6: memref<2048x1024xf32, #tpu.memory_space<hbm>>, %arg7: memref<64xi32, #tpu.memory_space<vmem>>, %arg8: memref<64x1024xf32, #tpu.memory_space<vmem>>, %arg9: memref<!tpu.dma_semaphore, #tpu.memory_space<semaphore_mem>>) attributes {dimension_semantics = [#tpu.dimension_semantics<core_parallel>, #tpu.dimension_semantics<subcore_parallel>], iteration_bounds = array<i64: 2, 16>, scalar_prefetch = 0 : i64, scratch_operands = 3 : i64, tpu.core_type = #tpu.core_type<sc_vector_subcore>, window_params = [{transform_indices = #map}, {transform_indices = #map1}, {transform_indices = #map1}, {transform_indices = #map}, {transform_indices = #map}]} {
    %mul3A = arith.constant 2 : i32
    %mul3A_0 = arith.muli %arg1, %mul3A : i32
    %add3A = arith.addi %mul3A_0, %arg0 : i32
    %mul3A_1 = arith.constant 64 : i32
    %mul3A_2 = arith.muli %add3A, %mul3A_1 : i32
    "tpu.region"() ({
      %run_scoped3A = tpu.sem_alloc : memref<!tpu.dma_semaphore, #tpu.memory_space<semaphore_mem>>
      %dma_start3A_13 = tpu.memref_slice %arg3[%mul3A_2] : memref<2048xi32, #tpu.memory_space<hbm>> -> memref<64xi32, #tpu.memory_space<hbm>>
      %dma_start3A_14 = tpu.memref_slice %arg3[%mul3A_2] : memref<2048xi32, #tpu.memory_space<hbm>> -> memref<64xi32, #tpu.memory_space<hbm>>
      tpu.enqueue_dma source(%dma_start3A_14 : memref<64xi32, #tpu.memory_space<hbm>>) target(%arg7 : memref<64xi32, #tpu.memory_space<vmem>>) target_semaphore(%run_scoped3A : memref<!tpu.dma_semaphore, #tpu.memory_space<semaphore_mem>>)
      %dma_wait3A_15 = tpu.memref_slice %arg3[%mul3A_2] : memref<2048xi32, #tpu.memory_space<hbm>> -> memref<64xi32, #tpu.memory_space<hbm>>
      %dma_wait3A_16 = tpu.memref_slice %arg3[%mul3A_2] : memref<2048xi32, #tpu.memory_space<hbm>> -> memref<64xi32, #tpu.memory_space<hbm>>
      tpu.wait_dma2 semaphore(%run_scoped3A : memref<!tpu.dma_semaphore, #tpu.memory_space<semaphore_mem>>) src(%dma_wait3A_16 : memref<64xi32, #tpu.memory_space<hbm>>) dst(%arg7 : memref<64xi32, #tpu.memory_space<vmem>>)
      tpu.yield
    }) : () -> ()
    %dma_start3A = arith.constant 0 : i32
    %dma_start3A_3 = arith.constant 0 : i32
    %dma_start3A_4 = tpu.memref_slice %arg2[%dma_start3A, %dma_start3A_3] : memref<16384x1024xf32, #tpu.memory_space<hbm>> -> memref<16384x1024xf32, #tpu.memory_space<hbm>>
    tpu.enqueue_indirect_dma source(%dma_start3A_4 : memref<16384x1024xf32, #tpu.memory_space<hbm>>) target(%arg8 : memref<64x1024xf32, #tpu.memory_space<vmem>>) offsets(%arg7 : memref<64xi32, #tpu.memory_space<vmem>>) semaphore(%arg9 : memref<!tpu.dma_semaphore, #tpu.memory_space<semaphore_mem>>)
    %dma_wait3A = arith.constant 0 : i32
    %dma_wait3A_5 = arith.constant 0 : i32
    %dma_wait3A_6 = tpu.memref_slice %arg2[%dma_wait3A, %dma_wait3A_5] : memref<16384x1024xf32, #tpu.memory_space<hbm>> -> memref<16384x1024xf32, #tpu.memory_space<hbm>>
    tpu.wait_indirect_dma semaphore(%arg9 : memref<!tpu.dma_semaphore, #tpu.memory_space<semaphore_mem>>) src(%dma_wait3A_6 : memref<16384x1024xf32, #tpu.memory_space<hbm>>) dst(%arg8 : memref<64x1024xf32, #tpu.memory_space<vmem>>)
    "tpu.region"() ({
      %run_scoped3A = tpu.sem_alloc : memref<!tpu.dma_semaphore, #tpu.memory_space<semaphore_mem>>
      %dma_start3A_13 = arith.constant 0 : i32
      %dma_start3A_14 = tpu.memref_slice %arg5[%mul3A_2, %dma_start3A_13] : memref<2048x1024xf32, #tpu.memory_space<hbm>> -> memref<64x1024xf32, #tpu.memory_space<hbm>>
      %dma_start3A_15 = arith.constant 0 : i32
      %dma_start3A_16 = tpu.memref_slice %arg5[%mul3A_2, %dma_start3A_15] : memref<2048x1024xf32, #tpu.memory_space<hbm>> -> memref<64x1024xf32, #tpu.memory_space<hbm>>
      tpu.enqueue_dma source(%arg8 : memref<64x1024xf32, #tpu.memory_space<vmem>>) target(%dma_start3A_16 : memref<64x1024xf32, #tpu.memory_space<hbm>>) target_semaphore(%run_scoped3A : memref<!tpu.dma_semaphore, #tpu.memory_space<semaphore_mem>>)
      %dma_wait3A_17 = arith.constant 0 : i32
      %dma_wait3A_18 = tpu.memref_slice %arg5[%mul3A_2, %dma_wait3A_17] : memref<2048x1024xf32, #tpu.memory_space<hbm>> -> memref<64x1024xf32, #tpu.memory_space<hbm>>
      %dma_wait3A_19 = arith.constant 0 : i32
      %dma_wait3A_20 = tpu.memref_slice %arg5[%mul3A_2, %dma_wait3A_19] : memref<2048x1024xf32, #tpu.memory_space<hbm>> -> memref<64x1024xf32, #tpu.memory_space<hbm>>
      tpu.wait_dma2 semaphore(%run_scoped3A : memref<!tpu.dma_semaphore, #tpu.memory_space<semaphore_mem>>) src(%arg8 : memref<64x1024xf32, #tpu.memory_space<vmem>>) dst(%dma_wait3A_20 : memref<64x1024xf32, #tpu.memory_space<hbm>>)
      tpu.yield
    }) : () -> ()
    "tpu.region"() ({
      %run_scoped3A = tpu.sem_alloc : memref<!tpu.dma_semaphore, #tpu.memory_space<semaphore_mem>>
      %dma_start3A_13 = tpu.memref_slice %arg4[%mul3A_2] : memref<2048xi32, #tpu.memory_space<hbm>> -> memref<64xi32, #tpu.memory_space<hbm>>
      %dma_start3A_14 = tpu.memref_slice %arg4[%mul3A_2] : memref<2048xi32, #tpu.memory_space<hbm>> -> memref<64xi32, #tpu.memory_space<hbm>>
      tpu.enqueue_dma source(%dma_start3A_14 : memref<64xi32, #tpu.memory_space<hbm>>) target(%arg7 : memref<64xi32, #tpu.memory_space<vmem>>) target_semaphore(%run_scoped3A : memref<!tpu.dma_semaphore, #tpu.memory_space<semaphore_mem>>)
      %dma_wait3A_15 = tpu.memref_slice %arg4[%mul3A_2] : memref<2048xi32, #tpu.memory_space<hbm>> -> memref<64xi32, #tpu.memory_space<hbm>>
      %dma_wait3A_16 = tpu.memref_slice %arg4[%mul3A_2] : memref<2048xi32, #tpu.memory_space<hbm>> -> memref<64xi32, #tpu.memory_space<hbm>>
      tpu.wait_dma2 semaphore(%run_scoped3A : memref<!tpu.dma_semaphore, #tpu.memory_space<semaphore_mem>>) src(%dma_wait3A_16 : memref<64xi32, #tpu.memory_space<hbm>>) dst(%arg7 : memref<64xi32, #tpu.memory_space<vmem>>)
      tpu.yield
    }) : () -> ()
    %dma_start3A_7 = arith.constant 0 : i32
    %dma_start3A_8 = arith.constant 0 : i32
    %dma_start3A_9 = tpu.memref_slice %arg2[%dma_start3A_7, %dma_start3A_8] : memref<16384x1024xf32, #tpu.memory_space<hbm>> -> memref<16384x1024xf32, #tpu.memory_space<hbm>>
    tpu.enqueue_indirect_dma source(%dma_start3A_9 : memref<16384x1024xf32, #tpu.memory_space<hbm>>) target(%arg8 : memref<64x1024xf32, #tpu.memory_space<vmem>>) offsets(%arg7 : memref<64xi32, #tpu.memory_space<vmem>>) semaphore(%arg9 : memref<!tpu.dma_semaphore, #tpu.memory_space<semaphore_mem>>)
    %dma_wait3A_10 = arith.constant 0 : i32
    %dma_wait3A_11 = arith.constant 0 : i32
    %dma_wait3A_12 = tpu.memref_slice %arg2[%dma_wait3A_10, %dma_wait3A_11] : memref<16384x1024xf32, #tpu.memory_space<hbm>> -> memref<16384x1024xf32, #tpu.memory_space<hbm>>
    tpu.wait_indirect_dma semaphore(%arg9 : memref<!tpu.dma_semaphore, #tpu.memory_space<semaphore_mem>>) src(%dma_wait3A_12 : memref<16384x1024xf32, #tpu.memory_space<hbm>>) dst(%arg8 : memref<64x1024xf32, #tpu.memory_space<vmem>>)
    "tpu.region"() ({
      %run_scoped3A = tpu.sem_alloc : memref<!tpu.dma_semaphore, #tpu.memory_space<semaphore_mem>>
      %dma_start3A_13 = arith.constant 0 : i32
      %dma_start3A_14 = tpu.memref_slice %arg6[%mul3A_2, %dma_start3A_13] : memref<2048x1024xf32, #tpu.memory_space<hbm>> -> memref<64x1024xf32, #tpu.memory_space<hbm>>
      %dma_start3A_15 = arith.constant 0 : i32
      %dma_start3A_16 = tpu.memref_slice %arg6[%mul3A_2, %dma_start3A_15] : memref<2048x1024xf32, #tpu.memory_space<hbm>> -> memref<64x1024xf32, #tpu.memory_space<hbm>>
      tpu.enqueue_dma source(%arg8 : memref<64x1024xf32, #tpu.memory_space<vmem>>) target(%dma_start3A_16 : memref<64x1024xf32, #tpu.memory_space<hbm>>) target_semaphore(%run_scoped3A : memref<!tpu.dma_semaphore, #tpu.memory_space<semaphore_mem>>)
      %dma_wait3A_17 = arith.constant 0 : i32
      %dma_wait3A_18 = tpu.memref_slice %arg6[%mul3A_2, %dma_wait3A_17] : memref<2048x1024xf32, #tpu.memory_space<hbm>> -> memref<64x1024xf32, #tpu.memory_space<hbm>>
      %dma_wait3A_19 = arith.constant 0 : i32
      %dma_wait3A_20 = tpu.memref_slice %arg6[%mul3A_2, %dma_wait3A_19] : memref<2048x1024xf32, #tpu.memory_space<hbm>> -> memref<64x1024xf32, #tpu.memory_space<hbm>>
      tpu.wait_dma2 semaphore(%run_scoped3A : memref<!tpu.dma_semaphore, #tpu.memory_space<semaphore_mem>>) src(%arg8 : memref<64x1024xf32, #tpu.memory_space<vmem>>) dst(%dma_wait3A_20 : memref<64x1024xf32, #tpu.memory_space<hbm>>)
      tpu.yield
    }) : () -> ()
    return
  }
}

module attributes {stable_mosaic.version = 14 : i64} {
  func.func @_gate_body(%arg0: i32, %arg1: memref<512x1024xf32, #tpu.memory_space<vmem>>, %arg2: memref<1024x64xf32, #tpu.memory_space<vmem>>, %arg3: memref<1x64xf32, #tpu.memory_space<vmem>>, %arg4: memref<512x1xf32, #tpu.memory_space<vmem>>, %arg5: memref<512x1xf32, #tpu.memory_space<vmem>>, %arg6: memref<512xi32, #tpu.memory_space<vmem>>, %arg7: memref<512xi32, #tpu.memory_space<vmem>>, %arg8: memref<512xi32, #tpu.memory_space<vmem>>, %arg9: memref<512xi32, #tpu.memory_space<vmem>>, %arg10: memref<1x64xi32, #tpu.memory_space<vmem>>, %arg11: memref<1x64xf32, #tpu.memory_space<vmem>>) attributes {dimension_semantics = [#tpu.dimension_semantics<arbitrary>], iteration_bounds = array<i64: 4>, scalar_prefetch = 0 : i64, scratch_operands = 1 : i64, tpu.core_type = #tpu.core_type<tc>, window_params = [{transform_indices = @transform_0, window_bounds = array<i64: 512, 1024>}, {pipeline_mode = #tpu.pipeline_mode<synchronous>, transform_indices = @transform_1, window_bounds = array<i64: 1024, 64>}, {pipeline_mode = #tpu.pipeline_mode<synchronous>, transform_indices = @transform_2, window_bounds = array<i64: 1, 64>}, {transform_indices = @transform_3, window_bounds = array<i64: 512, 1>}, {transform_indices = @transform_4, window_bounds = array<i64: 512, 1>}, {transform_indices = @transform_5, window_bounds = array<i64: 512>}, {transform_indices = @transform_6, window_bounds = array<i64: 512>}, {transform_indices = @transform_7, window_bounds = array<i64: 512>}, {transform_indices = @transform_8, window_bounds = array<i64: 512>}, {pipeline_mode = #tpu.pipeline_mode<synchronous>, transform_indices = @transform_9, window_bounds = array<i64: 1, 64>}]} {
    %eq3A = arith.constant 0 : i32
    %eq3A_0 = arith.cmpi eq, %arg0, %eq3A : i32
    %convert_element_type3A = arith.extui %eq3A_0 : i1 to i32
    %cond3A = arith.constant 0 : i32
    %cond3A_1 = arith.cmpi ne, %convert_element_type3A, %cond3A : i32
    scf.if %cond3A_1 {
      %broadcast_in_dim3A_136 = arith.constant 0.000000e+00 : f32
      %broadcast_in_dim3A_137 = vector.broadcast %broadcast_in_dim3A_136 : f32 to vector<1x64xf32>
      %swap3A_138 = arith.constant 0 : index
      %swap3A_139 = arith.constant 0 : index
      %swap3A_140 = vector.load %arg11[%swap3A_138, %swap3A_139] : memref<1x64xf32, #tpu.memory_space<vmem>>, vector<1x64xf32>
      tpu.vector_store %arg11[%swap3A_138, %swap3A_139], %broadcast_in_dim3A_137 {strides = array<i32>} : memref<1x64xf32, #tpu.memory_space<vmem>>, vector<1x64xf32>,
    } else {
    }
    %get3A = arith.constant 0 : index
    %get3A_2 = arith.constant 0 : index
    %get3A_3 = vector.load %arg1[%get3A, %get3A_2] : memref<512x1024xf32, #tpu.memory_space<vmem>>, vector<512x1024xf32>
    %get3A_4 = arith.constant 0 : index
    %get3A_5 = arith.constant 0 : index
    %get3A_6 = vector.load %arg2[%get3A_4, %get3A_5] : memref<1024x64xf32, #tpu.memory_space<vmem>>, vector<1024x64xf32>
    %dot_general3A = arith.constant dense<0.000000e+00> : vector<512x64xf32>
    %dot_general3A_7 = tpu.matmul %get3A_3, %get3A_6, %dot_general3A {dimension_numbers = #tpu.dot_dimension_numbers<[1], [0], [0], [1], [0, 0, 1, 1], [], []>, transpose_lhs_hint = false} : vector<512x1024xf32>, vector<1024x64xf32>, vector<512x64xf32> -> vector<512x64xf32>
    %get3A_8 = arith.constant 0 : index
    %get3A_9 = arith.constant 0 : index
    %get3A_10 = vector.load %arg3[%get3A_8, %get3A_9] : memref<1x64xf32, #tpu.memory_space<vmem>>, vector<1x64xf32>
    %add3A = vector.broadcast %get3A_10 : vector<1x64xf32> to vector<512x64xf32>
    %add3A_11 = arith.addf %dot_general3A_7, %add3A : vector<512x64xf32>
    %iota3A = tpu.iota {dimensions = array<i32: 1>} : vector<512x64xi32>
    %reduce_max3A = arith.constant dense<0xFF800000> : vector<512xf32>
    %reduce_max3A_12 = vector.multi_reduction <maximumf>, %add3A_11, %reduce_max3A [1] : vector<512x64xf32> to vector<512xf32>
    %broadcast_in_dim3A = vector.shape_cast %reduce_max3A_12 : vector<512xf32> to vector<512x1xf32>
    %eq3A_13 = vector.broadcast %broadcast_in_dim3A : vector<512x1xf32> to vector<512x64xf32>
    %eq3A_14 = arith.cmpf oeq, %add3A_11, %eq3A_13 : vector<512x64xf32>
    %jit3A = arith.constant 65 : i32
    %broadcast_in_dim3A_15 = vector.broadcast %jit3A : i32 to vector<512x64xi32>
    %select_n3A = arith.select %eq3A_14, %iota3A, %broadcast_in_dim3A_15 : vector<512x64xi1>, vector<512x64xi32>
    %reduce_min3A = arith.constant dense<2147483647> : vector<512xi32>
    %reduce_min3A_16 = vector.multi_reduction <minsi>, %select_n3A, %reduce_min3A [1] : vector<512x64xi32> to vector<512xi32>
    %broadcast_in_dim3A_17 = vector.shape_cast %reduce_min3A_16 : vector<512xi32> to vector<512x1xi32>
    %eq3A_18 = vector.broadcast %broadcast_in_dim3A_17 : vector<512x1xi32> to vector<512x64xi32>
    %eq3A_19 = arith.cmpi eq, %iota3A, %eq3A_18 : vector<512x64xi32>
    %jit3A_20 = arith.constant 0xFF800000 : f32
    %broadcast_in_dim3A_21 = vector.broadcast %jit3A_20 : f32 to vector<512x64xf32>
    %select_n3A_22 = arith.select %eq3A_19, %broadcast_in_dim3A_21, %add3A_11 : vector<512x64xi1>, vector<512x64xf32>
    %reduce_max3A_23 = arith.constant dense<0xFF800000> : vector<512xf32>
    %reduce_max3A_24 = vector.multi_reduction <maximumf>, %select_n3A_22, %reduce_max3A_23 [1] : vector<512x64xf32> to vector<512xf32>
    %broadcast_in_dim3A_25 = vector.shape_cast %reduce_max3A_24 : vector<512xf32> to vector<512x1xf32>
    %eq3A_26 = vector.broadcast %broadcast_in_dim3A_25 : vector<512x1xf32> to vector<512x64xf32>
    %eq3A_27 = arith.cmpf oeq, %select_n3A_22, %eq3A_26 : vector<512x64xf32>
    %jit3A_28 = arith.constant 65 : i32
    %broadcast_in_dim3A_29 = vector.broadcast %jit3A_28 : i32 to vector<512x64xi32>
    %select_n3A_30 = arith.select %eq3A_27, %iota3A, %broadcast_in_dim3A_29 : vector<512x64xi1>, vector<512x64xi32>
    %reduce_min3A_31 = arith.constant dense<2147483647> : vector<512xi32>
    %reduce_min3A_32 = vector.multi_reduction <minsi>, %select_n3A_30, %reduce_min3A_31 [1] : vector<512x64xi32> to vector<512xi32>
    %broadcast_in_dim3A_33 = vector.shape_cast %reduce_min3A_32 : vector<512xi32> to vector<512x1xi32>
    %sub3A = arith.subf %broadcast_in_dim3A_25, %broadcast_in_dim3A : vector<512x1xf32>
    %exp3A = math.exp %sub3A : vector<512x1xf32>
    %add3A_34 = arith.constant 1.000000e+00 : f32
    %add3A_35 = vector.broadcast %add3A_34 : f32 to vector<512x1xf32>
    %add3A_36 = arith.addf %add3A_35, %exp3A : vector<512x1xf32>
    %div3A = arith.constant 1.000000e+00 : f32
    %div3A_37 = vector.broadcast %div3A : f32 to vector<512x1xf32>
    %div3A_38 = arith.divf %div3A_37, %add3A_36 : vector<512x1xf32>
    %sub3A_39 = arith.constant 1.000000e+00 : f32
    %sub3A_40 = vector.broadcast %sub3A_39 : f32 to vector<512x1xf32>
    %sub3A_41 = arith.subf %sub3A_40, %div3A_38 : vector<512x1xf32>
    %eq3A_42 = vector.broadcast %broadcast_in_dim3A_17 : vector<512x1xi32> to vector<512x64xi32>
    %eq3A_43 = arith.cmpi eq, %iota3A, %eq3A_42 : vector<512x64xi32>
    %convert_element_type3A_44 = arith.extui %eq3A_43 : vector<512x64xi1> to vector<512x64xi32>
    %convert_element_type3A_45 = arith.sitofp %convert_element_type3A_44 : vector<512x64xi32> to vector<512x64xf32>
    %eq3A_46 = vector.broadcast %broadcast_in_dim3A_33 : vector<512x1xi32> to vector<512x64xi32>
    %eq3A_47 = arith.cmpi eq, %iota3A, %eq3A_46 : vector<512x64xi32>
    %convert_element_type3A_48 = arith.extui %eq3A_47 : vector<512x64xi1> to vector<512x64xi32>
    %convert_element_type3A_49 = arith.sitofp %convert_element_type3A_48 : vector<512x64xi32> to vector<512x64xf32>
    %add3A_50 = arith.addf %convert_element_type3A_45, %convert_element_type3A_49 : vector<512x64xf32>
    %iota3A_51 = tpu.iota {dimensions = array<i32: 0>} : vector<512x512xi32>
    %iota3A_52 = tpu.iota {dimensions = array<i32: 1>} : vector<512x512xi32>
    %lt3A = arith.cmpi slt, %iota3A_52, %iota3A_51 : vector<512x512xi32>
    %convert_element_type3A_53 = arith.extui %lt3A : vector<512x512xi1> to vector<512x512xi32>
    %convert_element_type3A_54 = arith.sitofp %convert_element_type3A_53 : vector<512x512xi32> to vector<512x512xf32>
    %get3A_55 = arith.constant 0 : index
    %get3A_56 = arith.constant 0 : index
    %get3A_57 = vector.load %arg11[%get3A_55, %get3A_56] : memref<1x64xf32, #tpu.memory_space<vmem>>, vector<1x64xf32>
    %dot_general3A_58 = arith.constant dense<0.000000e+00> : vector<512x64xf32>
    %dot_general3A_59 = tpu.matmul %convert_element_type3A_54, %add3A_50, %dot_general3A_58 {dimension_numbers = #tpu.dot_dimension_numbers<[1], [0], [0], [1], [0, 0, 1, 1], [], []>, transpose_lhs_hint = false} : vector<512x512xf32>, vector<512x64xf32>, vector<512x64xf32> -> vector<512x64xf32>
    %add3A_60 = vector.broadcast %get3A_57 : vector<1x64xf32> to vector<512x64xf32>
    %add3A_61 = arith.addf %dot_general3A_59, %add3A_60 : vector<512x64xf32>
    %reduce_sum3A = arith.constant dense<0.000000e+00> : vector<64xf32>
    %reduce_sum3A_62 = vector.multi_reduction <add>, %add3A_50, %reduce_sum3A [0] : vector<512x64xf32> to vector<64xf32>
    %broadcast_in_dim3A_63 = vector.shape_cast %reduce_sum3A_62 : vector<64xf32> to vector<1x64xf32>
    %add3A_64 = arith.addf %get3A_57, %broadcast_in_dim3A_63 : vector<1x64xf32>
    %swap3A = arith.constant 0 : index
    %swap3A_65 = arith.constant 0 : index
    %swap3A_66 = vector.load %arg11[%swap3A, %swap3A_65] : memref<1x64xf32, #tpu.memory_space<vmem>>, vector<1x64xf32>
    tpu.vector_store %arg11[%swap3A, %swap3A_65], %add3A_64 {strides = array<i32>} : memref<1x64xf32, #tpu.memory_space<vmem>>, vector<1x64xf32>,
    %mul3A = arith.mulf %add3A_61, %convert_element_type3A_45 : vector<512x64xf32>
    %reduce_sum3A_67 = arith.constant dense<0.000000e+00> : vector<512xf32>
    %reduce_sum3A_68 = vector.multi_reduction <add>, %mul3A, %reduce_sum3A_67 [1] : vector<512x64xf32> to vector<512xf32>
    %broadcast_in_dim3A_69 = vector.shape_cast %reduce_sum3A_68 : vector<512xf32> to vector<512x1xf32>
    %convert_element_type3A_70 = arith.fptosi %broadcast_in_dim3A_69 : vector<512x1xf32> to vector<512x1xi32>
    %mul3A_71 = arith.mulf %add3A_61, %convert_element_type3A_49 : vector<512x64xf32>
    %reduce_sum3A_72 = arith.constant dense<0.000000e+00> : vector<512xf32>
    %reduce_sum3A_73 = vector.multi_reduction <add>, %mul3A_71, %reduce_sum3A_72 [1] : vector<512x64xf32> to vector<512xf32>
    %broadcast_in_dim3A_74 = vector.shape_cast %reduce_sum3A_73 : vector<512xf32> to vector<512x1xf32>
    %convert_element_type3A_75 = arith.fptosi %broadcast_in_dim3A_74 : vector<512x1xf32> to vector<512x1xi32>
    %lt3A_76 = arith.constant 256 : i32
    %lt3A_77 = vector.broadcast %lt3A_76 : i32 to vector<512x1xi32>
    %lt3A_78 = arith.cmpi slt, %convert_element_type3A_70, %lt3A_77 : vector<512x1xi32>
    %lt3A_79 = arith.constant 256 : i32
    %lt3A_80 = vector.broadcast %lt3A_79 : i32 to vector<512x1xi32>
    %lt3A_81 = arith.cmpi slt, %convert_element_type3A_75, %lt3A_80 : vector<512x1xi32>
    %mul3A_82 = arith.constant 256 : i32
    %mul3A_83 = vector.broadcast %mul3A_82 : i32 to vector<512x1xi32>
    %mul3A_84 = arith.muli %broadcast_in_dim3A_17, %mul3A_83 : vector<512x1xi32>
    %add3A_85 = arith.addi %mul3A_84, %convert_element_type3A_70 : vector<512x1xi32>
    %mul3A_86 = arith.constant 256 : i32
    %mul3A_87 = vector.broadcast %mul3A_86 : i32 to vector<512x1xi32>
    %mul3A_88 = arith.muli %broadcast_in_dim3A_33, %mul3A_87 : vector<512x1xi32>
    %add3A_89 = arith.addi %mul3A_88, %convert_element_type3A_75 : vector<512x1xi32>
    %jit3A_90 = arith.constant 0.000000e+00 : f32
    %broadcast_in_dim3A_91 = vector.broadcast %jit3A_90 : f32 to vector<512x1xf32>
    %select_n3A_92 = arith.select %lt3A_78, %div3A_38, %broadcast_in_dim3A_91 : vector<512x1xi1>, vector<512x1xf32>
    %swap3A_93 = arith.constant 0 : index
    %swap3A_94 = arith.constant 0 : index
    %swap3A_95 = vector.load %arg4[%swap3A_93, %swap3A_94] : memref<512x1xf32, #tpu.memory_space<vmem>>, vector<512x1xf32>
    tpu.vector_store %arg4[%swap3A_93, %swap3A_94], %select_n3A_92 {strides = array<i32>} : memref<512x1xf32, #tpu.memory_space<vmem>>, vector<512x1xf32>,
    %jit3A_96 = arith.constant 0.000000e+00 : f32
    %broadcast_in_dim3A_97 = vector.broadcast %jit3A_96 : f32 to vector<512x1xf32>
    %select_n3A_98 = arith.select %lt3A_81, %sub3A_41, %broadcast_in_dim3A_97 : vector<512x1xi1>, vector<512x1xf32>
    %swap3A_99 = arith.constant 0 : index
    %swap3A_100 = arith.constant 0 : index
    %swap3A_101 = vector.load %arg5[%swap3A_99, %swap3A_100] : memref<512x1xf32, #tpu.memory_space<vmem>>, vector<512x1xf32>
    tpu.vector_store %arg5[%swap3A_99, %swap3A_100], %select_n3A_98 {strides = array<i32>} : memref<512x1xf32, #tpu.memory_space<vmem>>, vector<512x1xf32>,
    %jit3A_102 = arith.constant 16384 : i32
    %broadcast_in_dim3A_103 = vector.broadcast %jit3A_102 : i32 to vector<512x1xi32>
    %select_n3A_104 = arith.select %lt3A_78, %add3A_85, %broadcast_in_dim3A_103 : vector<512x1xi1>, vector<512x1xi32>
    %squeeze3A = vector.shape_cast %select_n3A_104 : vector<512x1xi32> to vector<512xi32>
    %swap3A_105 = arith.constant 0 : index
    %swap3A_106 = vector.load %arg6[%swap3A_105] : memref<512xi32, #tpu.memory_space<vmem>>, vector<512xi32>
    tpu.vector_store %arg6[%swap3A_105], %squeeze3A {strides = array<i32>} : memref<512xi32, #tpu.memory_space<vmem>>, vector<512xi32>,
    %jit3A_107 = arith.constant 16384 : i32
    %broadcast_in_dim3A_108 = vector.broadcast %jit3A_107 : i32 to vector<512x1xi32>
    %select_n3A_109 = arith.select %lt3A_81, %add3A_89, %broadcast_in_dim3A_108 : vector<512x1xi1>, vector<512x1xi32>
    %squeeze3A_110 = vector.shape_cast %select_n3A_109 : vector<512x1xi32> to vector<512xi32>
    %swap3A_111 = arith.constant 0 : index
    %swap3A_112 = vector.load %arg7[%swap3A_111] : memref<512xi32, #tpu.memory_space<vmem>>, vector<512xi32>
    tpu.vector_store %arg7[%swap3A_111], %squeeze3A_110 {strides = array<i32>} : memref<512xi32, #tpu.memory_space<vmem>>, vector<512xi32>,
    %mul3A_113 = arith.constant 256 : i32
    %mul3A_114 = vector.broadcast %mul3A_113 : i32 to vector<512x1xi32>
    %mul3A_115 = arith.muli %broadcast_in_dim3A_17, %mul3A_114 : vector<512x1xi32>
    %min3A = arith.constant 255 : i32
    %min3A_116 = vector.broadcast %min3A : i32 to vector<512x1xi32>
    %min3A_117 = arith.minsi %convert_element_type3A_70, %min3A_116 : vector<512x1xi32>
    %add3A_118 = arith.addi %mul3A_115, %min3A_117 : vector<512x1xi32>
    %squeeze3A_119 = vector.shape_cast %add3A_118 : vector<512x1xi32> to vector<512xi32>
    %swap3A_120 = arith.constant 0 : index
    %swap3A_121 = vector.load %arg8[%swap3A_120] : memref<512xi32, #tpu.memory_space<vmem>>, vector<512xi32>
    tpu.vector_store %arg8[%swap3A_120], %squeeze3A_119 {strides = array<i32>} : memref<512xi32, #tpu.memory_space<vmem>>, vector<512xi32>,
    %mul3A_122 = arith.constant 256 : i32
    %mul3A_123 = vector.broadcast %mul3A_122 : i32 to vector<512x1xi32>
    %mul3A_124 = arith.muli %broadcast_in_dim3A_33, %mul3A_123 : vector<512x1xi32>
    %min3A_125 = arith.constant 255 : i32
    %min3A_126 = vector.broadcast %min3A_125 : i32 to vector<512x1xi32>
    %min3A_127 = arith.minsi %convert_element_type3A_75, %min3A_126 : vector<512x1xi32>
    %add3A_128 = arith.addi %mul3A_124, %min3A_127 : vector<512x1xi32>
    %squeeze3A_129 = vector.shape_cast %add3A_128 : vector<512x1xi32> to vector<512xi32>
    %swap3A_130 = arith.constant 0 : index
    %swap3A_131 = vector.load %arg9[%swap3A_130] : memref<512xi32, #tpu.memory_space<vmem>>, vector<512xi32>
    tpu.vector_store %arg9[%swap3A_130], %squeeze3A_129 {strides = array<i32>} : memref<512xi32, #tpu.memory_space<vmem>>, vector<512xi32>,
    %convert_element_type3A_132 = arith.fptosi %add3A_64 : vector<1x64xf32> to vector<1x64xi32>
    %swap3A_133 = arith.constant 0 : index
    %swap3A_134 = arith.constant 0 : index
    %swap3A_135 = vector.load %arg10[%swap3A_133, %swap3A_134] : memref<1x64xi32, #tpu.memory_space<vmem>>, vector<1x64xi32>
    tpu.vector_store %arg10[%swap3A_133, %swap3A_134], %convert_element_type3A_132 {strides = array<i32>} : memref<1x64xi32, #tpu.memory_space<vmem>>, vector<1x64xi32>,
    return
  }
  func.func @transform_0(%arg0: i32) -> (i32, i32) {
    %c0_i32 = arith.constant 0 : i32
    %c0_i32_0 = arith.constant 0 : i32
    return %arg0, %c0_i32 : i32, i32
  }
  func.func @transform_1(%arg0: i32) -> (i32, i32) {
    %c0_i32 = arith.constant 0 : i32
    %c0_i32_0 = arith.constant 0 : i32
    %c0_i32_1 = arith.constant 0 : i32
    return %c0_i32, %c0_i32_0 : i32, i32
  }
  func.func @transform_2(%arg0: i32) -> (i32, i32) {
    %c0_i32 = arith.constant 0 : i32
    %c0_i32_0 = arith.constant 0 : i32
    %c0_i32_1 = arith.constant 0 : i32
    return %c0_i32, %c0_i32_0 : i32, i32
  }
  func.func @transform_3(%arg0: i32) -> (i32, i32) {
    %c0_i32 = arith.constant 0 : i32
    %c0_i32_0 = arith.constant 0 : i32
    return %arg0, %c0_i32 : i32, i32
  }
  func.func @transform_4(%arg0: i32) -> (i32, i32) {
    %c0_i32 = arith.constant 0 : i32
    %c0_i32_0 = arith.constant 0 : i32
    return %arg0, %c0_i32 : i32, i32
  }
  func.func @transform_5(%arg0: i32) -> i32 {
    %c0_i32 = arith.constant 0 : i32
    return %arg0 : i32
  }
  func.func @transform_6(%arg0: i32) -> i32 {
    %c0_i32 = arith.constant 0 : i32
    return %arg0 : i32
  }
  func.func @transform_7(%arg0: i32) -> i32 {
    %c0_i32 = arith.constant 0 : i32
    return %arg0 : i32
  }
  func.func @transform_8(%arg0: i32) -> i32 {
    %c0_i32 = arith.constant 0 : i32
    return %arg0 : i32
  }
  func.func @transform_9(%arg0: i32) -> (i32, i32) {
    %c0_i32 = arith.constant 0 : i32
    %c0_i32_0 = arith.constant 0 : i32
    %c0_i32_1 = arith.constant 0 : i32
    return %c0_i32, %c0_i32_0 : i32, i32
  }
}

module attributes {stable_mosaic.version = 14 : i64} {
  func.func @_combine_body(%arg0: i32, %arg1: memref<256x1024xf32, #tpu.memory_space<vmem>>, %arg2: memref<256x1024xf32, #tpu.memory_space<vmem>>, %arg3: memref<256x1024xf32, #tpu.memory_space<vmem>>, %arg4: memref<256x1xf32, #tpu.memory_space<vmem>>, %arg5: memref<256x1xf32, #tpu.memory_space<vmem>>, %arg6: memref<256x1024xf32, #tpu.memory_space<vmem>>) attributes {dimension_semantics = [#tpu.dimension_semantics<arbitrary>], iteration_bounds = array<i64: 8>, scalar_prefetch = 0 : i64, scratch_operands = 0 : i64, tpu.core_type = #tpu.core_type<tc>, window_params = [{transform_indices = @transform_0, window_bounds = array<i64: 256, 1024>}, {transform_indices = @transform_1, window_bounds = array<i64: 256, 1024>}, {transform_indices = @transform_2, window_bounds = array<i64: 256, 1024>}, {transform_indices = @transform_3, window_bounds = array<i64: 256, 1>}, {transform_indices = @transform_4, window_bounds = array<i64: 256, 1>}, {transform_indices = @transform_5, window_bounds = array<i64: 256, 1024>}]} {
    %get3A = arith.constant 0 : index
    %get3A_0 = arith.constant 0 : index
    %get3A_1 = vector.load %arg1[%get3A, %get3A_0] : memref<256x1024xf32, #tpu.memory_space<vmem>>, vector<256x1024xf32>
    %get3A_2 = arith.constant 0 : index
    %get3A_3 = arith.constant 0 : index
    %get3A_4 = vector.load %arg4[%get3A_2, %get3A_3] : memref<256x1xf32, #tpu.memory_space<vmem>>, vector<256x1xf32>
    %get3A_5 = arith.constant 0 : index
    %get3A_6 = arith.constant 0 : index
    %get3A_7 = vector.load %arg2[%get3A_5, %get3A_6] : memref<256x1024xf32, #tpu.memory_space<vmem>>, vector<256x1024xf32>
    %mul3A = vector.broadcast %get3A_4 : vector<256x1xf32> to vector<256x1024xf32>
    %mul3A_8 = arith.mulf %mul3A, %get3A_7 : vector<256x1024xf32>
    %add3A = arith.addf %get3A_1, %mul3A_8 : vector<256x1024xf32>
    %get3A_9 = arith.constant 0 : index
    %get3A_10 = arith.constant 0 : index
    %get3A_11 = vector.load %arg5[%get3A_9, %get3A_10] : memref<256x1xf32, #tpu.memory_space<vmem>>, vector<256x1xf32>
    %get3A_12 = arith.constant 0 : index
    %get3A_13 = arith.constant 0 : index
    %get3A_14 = vector.load %arg3[%get3A_12, %get3A_13] : memref<256x1024xf32, #tpu.memory_space<vmem>>, vector<256x1024xf32>
    %mul3A_15 = vector.broadcast %get3A_11 : vector<256x1xf32> to vector<256x1024xf32>
    %mul3A_16 = arith.mulf %mul3A_15, %get3A_14 : vector<256x1024xf32>
    %add3A_17 = arith.addf %add3A, %mul3A_16 : vector<256x1024xf32>
    %swap3A = arith.constant 0 : index
    %swap3A_18 = arith.constant 0 : index
    %swap3A_19 = vector.load %arg6[%swap3A, %swap3A_18] : memref<256x1024xf32, #tpu.memory_space<vmem>>, vector<256x1024xf32>
    tpu.vector_store %arg6[%swap3A, %swap3A_18], %add3A_17 {strides = array<i32>} : memref<256x1024xf32, #tpu.memory_space<vmem>>, vector<256x1024xf32>,
    return
  }
  func.func @transform_0(%arg0: i32) -> (i32, i32) {
    %c0_i32 = arith.constant 0 : i32
    %c0_i32_0 = arith.constant 0 : i32
    return %arg0, %c0_i32 : i32, i32
  }
  func.func @transform_1(%arg0: i32) -> (i32, i32) {
    %c0_i32 = arith.constant 0 : i32
    %c0_i32_0 = arith.constant 0 : i32
    return %arg0, %c0_i32 : i32, i32
  }
  func.func @transform_2(%arg0: i32) -> (i32, i32) {
    %c0_i32 = arith.constant 0 : i32
    %c0_i32_0 = arith.constant 0 : i32
    return %arg0, %c0_i32 : i32, i32
  }
  func.func @transform_3(%arg0: i32) -> (i32, i32) {
    %c0_i32 = arith.constant 0 : i32
    %c0_i32_0 = arith.constant 0 : i32
    return %arg0, %c0_i32 : i32, i32
  }
  func.func @transform_4(%arg0: i32) -> (i32, i32) {
    %c0_i32 = arith.constant 0 : i32
    %c0_i32_0 = arith.constant 0 : i32
    return %arg0, %c0_i32 : i32, i32
  }
  func.func @transform_5(%arg0: i32) -> (i32, i32) {
    %c0_i32 = arith.constant 0 : i32
    %c0_i32_0 = arith.constant 0 : i32
    return %arg0, %c0_i32 : i32, i32
  }
}

module attributes {stable_mosaic.version = 14 : i64} {
  func.func @_ffn_body(%arg0: i32, %arg1: memref<1x64xi32, #tpu.memory_space<smem>>, %arg2: memref<16640x1024xf32, #tpu.memory_space<any>>, %arg3: memref<1x1024x1024xf32, #tpu.memory_space<vmem>>, %arg4: memref<64x1024xf32, #tpu.memory_space<vmem>>, %arg5: memref<1x1024x1024xf32, #tpu.memory_space<vmem>>, %arg6: memref<64x1024xf32, #tpu.memory_space<vmem>>, %arg7: memref<16384x1024xf32, #tpu.memory_space<any>>, %arg8: memref<2x256x1024xf32, #tpu.memory_space<vmem>>, %arg9: memref<2x256x1024xf32, #tpu.memory_space<vmem>>, %arg10: memref<2x4x!tpu.dma_semaphore, #tpu.memory_space<semaphore_mem>>, %arg11: memref<2x4x!tpu.dma_semaphore, #tpu.memory_space<semaphore_mem>>) attributes {dimension_semantics = [#tpu.dimension_semantics<arbitrary>], iteration_bounds = array<i64: 64>, scalar_prefetch = 0 : i64, scratch_operands = 4 : i64, tpu.core_type = #tpu.core_type<tc>, window_params = [{transform_indices = @transform_0, window_bounds = array<i64: 1, 64>}, {}, {transform_indices = @transform_2, window_bounds = array<i64: 1, 1024, 1024>}, {pipeline_mode = #tpu.pipeline_mode<synchronous>, transform_indices = @transform_3, window_bounds = array<i64: 64, 1024>}, {transform_indices = @transform_4, window_bounds = array<i64: 1, 1024, 1024>}, {pipeline_mode = #tpu.pipeline_mode<synchronous>, transform_indices = @transform_5, window_bounds = array<i64: 64, 1024>}, {}]} {
    %rem3A = arith.constant 2 : i32
    %rem3A_0 = arith.remsi %arg0, %rem3A : i32
    %eq3A = arith.constant 0 : i32
    %eq3A_1 = arith.cmpi eq, %arg0, %eq3A : i32
    %convert_element_type3A = arith.extui %eq3A_1 : i1 to i32
    %cond3A = arith.constant 0 : i32
    %cond3A_2 = arith.cmpi ne, %convert_element_type3A, %cond3A : i32
    scf.if %cond3A_2 {
      %get3A_38 = arith.constant 0 : index
      %get3A_39 = arith.constant 0 : index
      %get3A_40 = memref.load %arg1[%get3A_38, %get3A_39] : memref<1x64xi32, #tpu.memory_space<smem>>
      %gt3A_41 = arith.constant 0 : i32
      %gt3A_42 = arith.cmpi sgt, %get3A_40, %gt3A_41 : i32
      %convert_element_type3A_43 = arith.extui %gt3A_42 : i1 to i32
      %cond3A_44 = arith.constant 0 : i32
      %cond3A_45 = arith.cmpi ne, %convert_element_type3A_43, %cond3A_44 : i32
      scf.if %cond3A_45 {
        %dma_start3A = arith.constant 0 : i32
        %dma_start3A_61 = arith.constant 0 : i32
        %dma_start3A_62 = arith.constant 0 : i32
        %dma_start3A_63 = tpu.memref_slice %arg10[%dma_start3A_61, %dma_start3A_62] : memref<2x4x!tpu.dma_semaphore, #tpu.memory_space<semaphore_mem>> -> memref<1x1x!tpu.dma_semaphore, #tpu.memory_space<semaphore_mem>>
        %dma_start3A_64 = tpu.memref_squeeze %dma_start3A_63 : memref<1x1x!tpu.dma_semaphore, #tpu.memory_space<semaphore_mem>> -> memref<!tpu.dma_semaphore, #tpu.memory_space<semaphore_mem>>
        %dma_start3A_65 = arith.constant 0 : i32
        %dma_start3A_66 = arith.constant 0 : i32
        %dma_start3A_67 = tpu.memref_slice %arg8[%dma_start3A, %dma_start3A_65, %dma_start3A_66] : memref<2x256x1024xf32, #tpu.memory_space<vmem>> -> memref<1x64x1024xf32, #tpu.memory_space<vmem>>
        %dma_start3A_68 = tpu.memref_squeeze %dma_start3A_67 : memref<1x64x1024xf32, #tpu.memory_space<vmem>> -> memref<64x1024xf32, #tpu.memory_space<vmem>>
        %dma_start3A_69 = arith.constant 0 : i32
        %dma_start3A_70 = arith.constant 0 : i32
        %dma_start3A_71 = tpu.memref_slice %arg2[%dma_start3A_69, %dma_start3A_70] : memref<16640x1024xf32, #tpu.memory_space<any>> -> memref<64x1024xf32, #tpu.memory_space<any>>
        tpu.enqueue_dma source(%dma_start3A_71 : memref<64x1024xf32, #tpu.memory_space<any>>) target(%dma_start3A_68 : memref<64x1024xf32, #tpu.memory_space<vmem>>) target_semaphore(%dma_start3A_64 : memref<!tpu.dma_semaphore, #tpu.memory_space<semaphore_mem>>)
      } else {
      }
      %gt3A_46 = arith.constant 64 : i32
      %gt3A_47 = arith.cmpi sgt, %get3A_40, %gt3A_46 : i32
      %convert_element_type3A_48 = arith.extui %gt3A_47 : i1 to i32
      %cond3A_49 = arith.constant 0 : i32
      %cond3A_50 = arith.cmpi ne, %convert_element_type3A_48, %cond3A_49 : i32
      scf.if %cond3A_50 {
        %dma_start3A = arith.constant 0 : i32
        %dma_start3A_61 = arith.constant 0 : i32
        %dma_start3A_62 = arith.constant 1 : i32
        %dma_start3A_63 = tpu.memref_slice %arg10[%dma_start3A_61, %dma_start3A_62] : memref<2x4x!tpu.dma_semaphore, #tpu.memory_space<semaphore_mem>> -> memref<1x1x!tpu.dma_semaphore, #tpu.memory_space<semaphore_mem>>
        %dma_start3A_64 = tpu.memref_squeeze %dma_start3A_63 : memref<1x1x!tpu.dma_semaphore, #tpu.memory_space<semaphore_mem>> -> memref<!tpu.dma_semaphore, #tpu.memory_space<semaphore_mem>>
        %dma_start3A_65 = arith.constant 64 : i32
        %dma_start3A_66 = arith.constant 0 : i32
        %dma_start3A_67 = tpu.memref_slice %arg8[%dma_start3A, %dma_start3A_65, %dma_start3A_66] : memref<2x256x1024xf32, #tpu.memory_space<vmem>> -> memref<1x64x1024xf32, #tpu.memory_space<vmem>>
        %dma_start3A_68 = tpu.memref_squeeze %dma_start3A_67 : memref<1x64x1024xf32, #tpu.memory_space<vmem>> -> memref<64x1024xf32, #tpu.memory_space<vmem>>
        %dma_start3A_69 = arith.constant 64 : i32
        %dma_start3A_70 = arith.constant 0 : i32
        %dma_start3A_71 = tpu.memref_slice %arg2[%dma_start3A_69, %dma_start3A_70] : memref<16640x1024xf32, #tpu.memory_space<any>> -> memref<64x1024xf32, #tpu.memory_space<any>>
        tpu.enqueue_dma source(%dma_start3A_71 : memref<64x1024xf32, #tpu.memory_space<any>>) target(%dma_start3A_68 : memref<64x1024xf32, #tpu.memory_space<vmem>>) target_semaphore(%dma_start3A_64 : memref<!tpu.dma_semaphore, #tpu.memory_space<semaphore_mem>>)
      } else {
      }
      %gt3A_51 = arith.constant 128 : i32
      %gt3A_52 = arith.cmpi sgt, %get3A_40, %gt3A_51 : i32
      %convert_element_type3A_53 = arith.extui %gt3A_52 : i1 to i32
      %cond3A_54 = arith.constant 0 : i32
      %cond3A_55 = arith.cmpi ne, %convert_element_type3A_53, %cond3A_54 : i32
      scf.if %cond3A_55 {
        %dma_start3A = arith.constant 0 : i32
        %dma_start3A_61 = arith.constant 0 : i32
        %dma_start3A_62 = arith.constant 2 : i32
        %dma_start3A_63 = tpu.memref_slice %arg10[%dma_start3A_61, %dma_start3A_62] : memref<2x4x!tpu.dma_semaphore, #tpu.memory_space<semaphore_mem>> -> memref<1x1x!tpu.dma_semaphore, #tpu.memory_space<semaphore_mem>>
        %dma_start3A_64 = tpu.memref_squeeze %dma_start3A_63 : memref<1x1x!tpu.dma_semaphore, #tpu.memory_space<semaphore_mem>> -> memref<!tpu.dma_semaphore, #tpu.memory_space<semaphore_mem>>
        %dma_start3A_65 = arith.constant 128 : i32
        %dma_start3A_66 = arith.constant 0 : i32
        %dma_start3A_67 = tpu.memref_slice %arg8[%dma_start3A, %dma_start3A_65, %dma_start3A_66] : memref<2x256x1024xf32, #tpu.memory_space<vmem>> -> memref<1x64x1024xf32, #tpu.memory_space<vmem>>
        %dma_start3A_68 = tpu.memref_squeeze %dma_start3A_67 : memref<1x64x1024xf32, #tpu.memory_space<vmem>> -> memref<64x1024xf32, #tpu.memory_space<vmem>>
        %dma_start3A_69 = arith.constant 128 : i32
        %dma_start3A_70 = arith.constant 0 : i32
        %dma_start3A_71 = tpu.memref_slice %arg2[%dma_start3A_69, %dma_start3A_70] : memref<16640x1024xf32, #tpu.memory_space<any>> -> memref<64x1024xf32, #tpu.memory_space<any>>
        tpu.enqueue_dma source(%dma_start3A_71 : memref<64x1024xf32, #tpu.memory_space<any>>) target(%dma_start3A_68 : memref<64x1024xf32, #tpu.memory_space<vmem>>) target_semaphore(%dma_start3A_64 : memref<!tpu.dma_semaphore, #tpu.memory_space<semaphore_mem>>)
      } else {
      }
      %gt3A_56 = arith.constant 192 : i32
      %gt3A_57 = arith.cmpi sgt, %get3A_40, %gt3A_56 : i32
      %convert_element_type3A_58 = arith.extui %gt3A_57 : i1 to i32
      %cond3A_59 = arith.constant 0 : i32
      %cond3A_60 = arith.cmpi ne, %convert_element_type3A_58, %cond3A_59 : i32
      scf.if %cond3A_60 {
        %dma_start3A = arith.constant 0 : i32
        %dma_start3A_61 = arith.constant 0 : i32
        %dma_start3A_62 = arith.constant 3 : i32
        %dma_start3A_63 = tpu.memref_slice %arg10[%dma_start3A_61, %dma_start3A_62] : memref<2x4x!tpu.dma_semaphore, #tpu.memory_space<semaphore_mem>> -> memref<1x1x!tpu.dma_semaphore, #tpu.memory_space<semaphore_mem>>
        %dma_start3A_64 = tpu.memref_squeeze %dma_start3A_63 : memref<1x1x!tpu.dma_semaphore, #tpu.memory_space<semaphore_mem>> -> memref<!tpu.dma_semaphore, #tpu.memory_space<semaphore_mem>>
        %dma_start3A_65 = arith.constant 192 : i32
        %dma_start3A_66 = arith.constant 0 : i32
        %dma_start3A_67 = tpu.memref_slice %arg8[%dma_start3A, %dma_start3A_65, %dma_start3A_66] : memref<2x256x1024xf32, #tpu.memory_space<vmem>> -> memref<1x64x1024xf32, #tpu.memory_space<vmem>>
        %dma_start3A_68 = tpu.memref_squeeze %dma_start3A_67 : memref<1x64x1024xf32, #tpu.memory_space<vmem>> -> memref<64x1024xf32, #tpu.memory_space<vmem>>
        %dma_start3A_69 = arith.constant 192 : i32
        %dma_start3A_70 = arith.constant 0 : i32
        %dma_start3A_71 = tpu.memref_slice %arg2[%dma_start3A_69, %dma_start3A_70] : memref<16640x1024xf32, #tpu.memory_space<any>> -> memref<64x1024xf32, #tpu.memory_space<any>>
        tpu.enqueue_dma source(%dma_start3A_71 : memref<64x1024xf32, #tpu.memory_space<any>>) target(%dma_start3A_68 : memref<64x1024xf32, #tpu.memory_space<vmem>>) target_semaphore(%dma_start3A_64 : memref<!tpu.dma_semaphore, #tpu.memory_space<semaphore_mem>>)
      } else {
      }
    } else {
    }
    %add3A = arith.constant 1 : i32
    %add3A_3 = arith.addi %arg0, %add3A : i32
    %lt3A = arith.constant 64 : i32
    %lt3A_4 = arith.cmpi slt, %add3A_3, %lt3A : i32
    %convert_element_type3A_5 = arith.extui %lt3A_4 : i1 to i32
    %cond3A_6 = arith.constant 0 : i32
    %cond3A_7 = arith.cmpi ne, %convert_element_type3A_5, %cond3A_6 : i32
    scf.if %cond3A_7 {
      %add3A_38 = arith.constant 1 : i32
      %add3A_39 = arith.addi %arg0, %add3A_38 : i32
      %sub3A = arith.constant 1 : i32
      %sub3A_40 = arith.subi %sub3A, %rem3A_0 : i32
      %get3A_41 = arith.constant 0 : index
      %get3A_42 = arith.index_cast %add3A_39 : i32 to index
      %get3A_43 = memref.load %arg1[%get3A_41, %get3A_42] : memref<1x64xi32, #tpu.memory_space<smem>>
      %gt3A_44 = arith.constant 0 : i32
      %gt3A_45 = arith.cmpi sgt, %get3A_43, %gt3A_44 : i32
      %convert_element_type3A_46 = arith.extui %gt3A_45 : i1 to i32
      %cond3A_47 = arith.constant 0 : i32
      %cond3A_48 = arith.cmpi ne, %convert_element_type3A_46, %cond3A_47 : i32
      scf.if %cond3A_48 {
        %mul3A = arith.constant 256 : i32
        %mul3A_64 = arith.muli %add3A_39, %mul3A : i32
        %add3A_65 = arith.constant 0 : i32
        %add3A_66 = arith.addi %mul3A_64, %add3A_65 : i32
        %dma_start3A = arith.constant 0 : i32
        %dma_start3A_67 = tpu.memref_slice %arg10[%sub3A_40, %dma_start3A] : memref<2x4x!tpu.dma_semaphore, #tpu.memory_space<semaphore_mem>> -> memref<1x1x!tpu.dma_semaphore, #tpu.memory_space<semaphore_mem>>
        %dma_start3A_68 = tpu.memref_squeeze %dma_start3A_67 : memref<1x1x!tpu.dma_semaphore, #tpu.memory_space<semaphore_mem>> -> memref<!tpu.dma_semaphore, #tpu.memory_space<semaphore_mem>>
        %dma_start3A_69 = arith.constant 0 : i32
        %dma_start3A_70 = arith.constant 0 : i32
        %dma_start3A_71 = tpu.memref_slice %arg8[%sub3A_40, %dma_start3A_69, %dma_start3A_70] : memref<2x256x1024xf32, #tpu.memory_space<vmem>> -> memref<1x64x1024xf32, #tpu.memory_space<vmem>>
        %dma_start3A_72 = tpu.memref_squeeze %dma_start3A_71 : memref<1x64x1024xf32, #tpu.memory_space<vmem>> -> memref<64x1024xf32, #tpu.memory_space<vmem>>
        %dma_start3A_73 = arith.constant 0 : i32
        %dma_start3A_74 = tpu.memref_slice %arg2[%add3A_66, %dma_start3A_73] : memref<16640x1024xf32, #tpu.memory_space<any>> -> memref<64x1024xf32, #tpu.memory_space<any>>
        tpu.enqueue_dma source(%dma_start3A_74 : memref<64x1024xf32, #tpu.memory_space<any>>) target(%dma_start3A_72 : memref<64x1024xf32, #tpu.memory_space<vmem>>) target_semaphore(%dma_start3A_68 : memref<!tpu.dma_semaphore, #tpu.memory_space<semaphore_mem>>)
      } else {
      }
      %gt3A_49 = arith.constant 64 : i32
      %gt3A_50 = arith.cmpi sgt, %get3A_43, %gt3A_49 : i32
      %convert_element_type3A_51 = arith.extui %gt3A_50 : i1 to i32
      %cond3A_52 = arith.constant 0 : i32
      %cond3A_53 = arith.cmpi ne, %convert_element_type3A_51, %cond3A_52 : i32
      scf.if %cond3A_53 {
        %mul3A = arith.constant 256 : i32
        %mul3A_64 = arith.muli %add3A_39, %mul3A : i32
        %add3A_65 = arith.constant 64 : i32
        %add3A_66 = arith.addi %mul3A_64, %add3A_65 : i32
        %dma_start3A = arith.constant 1 : i32
        %dma_start3A_67 = tpu.memref_slice %arg10[%sub3A_40, %dma_start3A] : memref<2x4x!tpu.dma_semaphore, #tpu.memory_space<semaphore_mem>> -> memref<1x1x!tpu.dma_semaphore, #tpu.memory_space<semaphore_mem>>
        %dma_start3A_68 = tpu.memref_squeeze %dma_start3A_67 : memref<1x1x!tpu.dma_semaphore, #tpu.memory_space<semaphore_mem>> -> memref<!tpu.dma_semaphore, #tpu.memory_space<semaphore_mem>>
        %dma_start3A_69 = arith.constant 64 : i32
        %dma_start3A_70 = arith.constant 0 : i32
        %dma_start3A_71 = tpu.memref_slice %arg8[%sub3A_40, %dma_start3A_69, %dma_start3A_70] : memref<2x256x1024xf32, #tpu.memory_space<vmem>> -> memref<1x64x1024xf32, #tpu.memory_space<vmem>>
        %dma_start3A_72 = tpu.memref_squeeze %dma_start3A_71 : memref<1x64x1024xf32, #tpu.memory_space<vmem>> -> memref<64x1024xf32, #tpu.memory_space<vmem>>
        %dma_start3A_73 = arith.constant 0 : i32
        %dma_start3A_74 = tpu.memref_slice %arg2[%add3A_66, %dma_start3A_73] : memref<16640x1024xf32, #tpu.memory_space<any>> -> memref<64x1024xf32, #tpu.memory_space<any>>
        tpu.enqueue_dma source(%dma_start3A_74 : memref<64x1024xf32, #tpu.memory_space<any>>) target(%dma_start3A_72 : memref<64x1024xf32, #tpu.memory_space<vmem>>) target_semaphore(%dma_start3A_68 : memref<!tpu.dma_semaphore, #tpu.memory_space<semaphore_mem>>)
      } else {
      }
      %gt3A_54 = arith.constant 128 : i32
      %gt3A_55 = arith.cmpi sgt, %get3A_43, %gt3A_54 : i32
      %convert_element_type3A_56 = arith.extui %gt3A_55 : i1 to i32
      %cond3A_57 = arith.constant 0 : i32
      %cond3A_58 = arith.cmpi ne, %convert_element_type3A_56, %cond3A_57 : i32
      scf.if %cond3A_58 {
        %mul3A = arith.constant 256 : i32
        %mul3A_64 = arith.muli %add3A_39, %mul3A : i32
        %add3A_65 = arith.constant 128 : i32
        %add3A_66 = arith.addi %mul3A_64, %add3A_65 : i32
        %dma_start3A = arith.constant 2 : i32
        %dma_start3A_67 = tpu.memref_slice %arg10[%sub3A_40, %dma_start3A] : memref<2x4x!tpu.dma_semaphore, #tpu.memory_space<semaphore_mem>> -> memref<1x1x!tpu.dma_semaphore, #tpu.memory_space<semaphore_mem>>
        %dma_start3A_68 = tpu.memref_squeeze %dma_start3A_67 : memref<1x1x!tpu.dma_semaphore, #tpu.memory_space<semaphore_mem>> -> memref<!tpu.dma_semaphore, #tpu.memory_space<semaphore_mem>>
        %dma_start3A_69 = arith.constant 128 : i32
        %dma_start3A_70 = arith.constant 0 : i32
        %dma_start3A_71 = tpu.memref_slice %arg8[%sub3A_40, %dma_start3A_69, %dma_start3A_70] : memref<2x256x1024xf32, #tpu.memory_space<vmem>> -> memref<1x64x1024xf32, #tpu.memory_space<vmem>>
        %dma_start3A_72 = tpu.memref_squeeze %dma_start3A_71 : memref<1x64x1024xf32, #tpu.memory_space<vmem>> -> memref<64x1024xf32, #tpu.memory_space<vmem>>
        %dma_start3A_73 = arith.constant 0 : i32
        %dma_start3A_74 = tpu.memref_slice %arg2[%add3A_66, %dma_start3A_73] : memref<16640x1024xf32, #tpu.memory_space<any>> -> memref<64x1024xf32, #tpu.memory_space<any>>
        tpu.enqueue_dma source(%dma_start3A_74 : memref<64x1024xf32, #tpu.memory_space<any>>) target(%dma_start3A_72 : memref<64x1024xf32, #tpu.memory_space<vmem>>) target_semaphore(%dma_start3A_68 : memref<!tpu.dma_semaphore, #tpu.memory_space<semaphore_mem>>)
      } else {
      }
      %gt3A_59 = arith.constant 192 : i32
      %gt3A_60 = arith.cmpi sgt, %get3A_43, %gt3A_59 : i32
      %convert_element_type3A_61 = arith.extui %gt3A_60 : i1 to i32
      %cond3A_62 = arith.constant 0 : i32
      %cond3A_63 = arith.cmpi ne, %convert_element_type3A_61, %cond3A_62 : i32
      scf.if %cond3A_63 {
        %mul3A = arith.constant 256 : i32
        %mul3A_64 = arith.muli %add3A_39, %mul3A : i32
        %add3A_65 = arith.constant 192 : i32
        %add3A_66 = arith.addi %mul3A_64, %add3A_65 : i32
        %dma_start3A = arith.constant 3 : i32
        %dma_start3A_67 = tpu.memref_slice %arg10[%sub3A_40, %dma_start3A] : memref<2x4x!tpu.dma_semaphore, #tpu.memory_space<semaphore_mem>> -> memref<1x1x!tpu.dma_semaphore, #tpu.memory_space<semaphore_mem>>
        %dma_start3A_68 = tpu.memref_squeeze %dma_start3A_67 : memref<1x1x!tpu.dma_semaphore, #tpu.memory_space<semaphore_mem>> -> memref<!tpu.dma_semaphore, #tpu.memory_space<semaphore_mem>>
        %dma_start3A_69 = arith.constant 192 : i32
        %dma_start3A_70 = arith.constant 0 : i32
        %dma_start3A_71 = tpu.memref_slice %arg8[%sub3A_40, %dma_start3A_69, %dma_start3A_70] : memref<2x256x1024xf32, #tpu.memory_space<vmem>> -> memref<1x64x1024xf32, #tpu.memory_space<vmem>>
        %dma_start3A_72 = tpu.memref_squeeze %dma_start3A_71 : memref<1x64x1024xf32, #tpu.memory_space<vmem>> -> memref<64x1024xf32, #tpu.memory_space<vmem>>
        %dma_start3A_73 = arith.constant 0 : i32
        %dma_start3A_74 = tpu.memref_slice %arg2[%add3A_66, %dma_start3A_73] : memref<16640x1024xf32, #tpu.memory_space<any>> -> memref<64x1024xf32, #tpu.memory_space<any>>
        tpu.enqueue_dma source(%dma_start3A_74 : memref<64x1024xf32, #tpu.memory_space<any>>) target(%dma_start3A_72 : memref<64x1024xf32, #tpu.memory_space<vmem>>) target_semaphore(%dma_start3A_68 : memref<!tpu.dma_semaphore, #tpu.memory_space<semaphore_mem>>)
      } else {
      }
    } else {
    }
    %ge3A = arith.constant 2 : i32
    %ge3A_8 = arith.cmpi sge, %arg0, %ge3A : i32
    %convert_element_type3A_9 = arith.extui %ge3A_8 : i1 to i32
    %cond3A_10 = arith.constant 0 : i32
    %cond3A_11 = arith.cmpi ne, %convert_element_type3A_9, %cond3A_10 : i32
    scf.if %cond3A_11 {
      %sub3A = arith.constant 2 : i32
      %sub3A_38 = arith.subi %arg0, %sub3A : i32
      %get3A_39 = arith.constant 0 : index
      %get3A_40 = arith.index_cast %sub3A_38 : i32 to index
      %get3A_41 = memref.load %arg1[%get3A_39, %get3A_40] : memref<1x64xi32, #tpu.memory_space<smem>>
      %gt3A_42 = arith.constant 0 : i32
      %gt3A_43 = arith.cmpi sgt, %get3A_41, %gt3A_42 : i32
      %convert_element_type3A_44 = arith.extui %gt3A_43 : i1 to i32
      %cond3A_45 = arith.constant 0 : i32
      %cond3A_46 = arith.cmpi ne, %convert_element_type3A_44, %cond3A_45 : i32
      scf.if %cond3A_46 {
        %sub3A_62 = arith.constant 2 : i32
        %sub3A_63 = arith.subi %arg0, %sub3A_62 : i32
        %mul3A = arith.constant 256 : i32
        %mul3A_64 = arith.muli %sub3A_63, %mul3A : i32
        %add3A_65 = arith.constant 0 : i32
        %add3A_66 = arith.addi %mul3A_64, %add3A_65 : i32
        %dma_wait3A = arith.constant 0 : i32
        %dma_wait3A_67 = tpu.memref_slice %arg11[%rem3A_0, %dma_wait3A] : memref<2x4x!tpu.dma_semaphore, #tpu.memory_space<semaphore_mem>> -> memref<1x1x!tpu.dma_semaphore, #tpu.memory_space<semaphore_mem>>
        %dma_wait3A_68 = tpu.memref_squeeze %dma_wait3A_67 : memref<1x1x!tpu.dma_semaphore, #tpu.memory_space<semaphore_mem>> -> memref<!tpu.dma_semaphore, #tpu.memory_space<semaphore_mem>>
        %dma_wait3A_69 = arith.constant 0 : i32
        %dma_wait3A_70 = tpu.memref_slice %arg7[%add3A_66, %dma_wait3A_69] : memref<16384x1024xf32, #tpu.memory_space<any>> -> memref<64x1024xf32, #tpu.memory_space<any>>
        %dma_wait3A_71 = arith.constant 0 : i32
        %dma_wait3A_72 = arith.constant 0 : i32
        %dma_wait3A_73 = tpu.memref_slice %arg9[%rem3A_0, %dma_wait3A_71, %dma_wait3A_72] : memref<2x256x1024xf32, #tpu.memory_space<vmem>> -> memref<1x64x1024xf32, #tpu.memory_space<vmem>>
        %dma_wait3A_74 = tpu.memref_squeeze %dma_wait3A_73 : memref<1x64x1024xf32, #tpu.memory_space<vmem>> -> memref<64x1024xf32, #tpu.memory_space<vmem>>
        tpu.wait_dma2 semaphore(%dma_wait3A_68 : memref<!tpu.dma_semaphore, #tpu.memory_space<semaphore_mem>>) src(%dma_wait3A_74 : memref<64x1024xf32, #tpu.memory_space<vmem>>) dst(%dma_wait3A_70 : memref<64x1024xf32, #tpu.memory_space<any>>)
      } else {
      }
      %gt3A_47 = arith.constant 64 : i32
      %gt3A_48 = arith.cmpi sgt, %get3A_41, %gt3A_47 : i32
      %convert_element_type3A_49 = arith.extui %gt3A_48 : i1 to i32
      %cond3A_50 = arith.constant 0 : i32
      %cond3A_51 = arith.cmpi ne, %convert_element_type3A_49, %cond3A_50 : i32
      scf.if %cond3A_51 {
        %sub3A_62 = arith.constant 2 : i32
        %sub3A_63 = arith.subi %arg0, %sub3A_62 : i32
        %mul3A = arith.constant 256 : i32
        %mul3A_64 = arith.muli %sub3A_63, %mul3A : i32
        %add3A_65 = arith.constant 64 : i32
        %add3A_66 = arith.addi %mul3A_64, %add3A_65 : i32
        %dma_wait3A = arith.constant 1 : i32
        %dma_wait3A_67 = tpu.memref_slice %arg11[%rem3A_0, %dma_wait3A] : memref<2x4x!tpu.dma_semaphore, #tpu.memory_space<semaphore_mem>> -> memref<1x1x!tpu.dma_semaphore, #tpu.memory_space<semaphore_mem>>
        %dma_wait3A_68 = tpu.memref_squeeze %dma_wait3A_67 : memref<1x1x!tpu.dma_semaphore, #tpu.memory_space<semaphore_mem>> -> memref<!tpu.dma_semaphore, #tpu.memory_space<semaphore_mem>>
        %dma_wait3A_69 = arith.constant 0 : i32
        %dma_wait3A_70 = tpu.memref_slice %arg7[%add3A_66, %dma_wait3A_69] : memref<16384x1024xf32, #tpu.memory_space<any>> -> memref<64x1024xf32, #tpu.memory_space<any>>
        %dma_wait3A_71 = arith.constant 64 : i32
        %dma_wait3A_72 = arith.constant 0 : i32
        %dma_wait3A_73 = tpu.memref_slice %arg9[%rem3A_0, %dma_wait3A_71, %dma_wait3A_72] : memref<2x256x1024xf32, #tpu.memory_space<vmem>> -> memref<1x64x1024xf32, #tpu.memory_space<vmem>>
        %dma_wait3A_74 = tpu.memref_squeeze %dma_wait3A_73 : memref<1x64x1024xf32, #tpu.memory_space<vmem>> -> memref<64x1024xf32, #tpu.memory_space<vmem>>
        tpu.wait_dma2 semaphore(%dma_wait3A_68 : memref<!tpu.dma_semaphore, #tpu.memory_space<semaphore_mem>>) src(%dma_wait3A_74 : memref<64x1024xf32, #tpu.memory_space<vmem>>) dst(%dma_wait3A_70 : memref<64x1024xf32, #tpu.memory_space<any>>)
      } else {
      }
      %gt3A_52 = arith.constant 128 : i32
      %gt3A_53 = arith.cmpi sgt, %get3A_41, %gt3A_52 : i32
      %convert_element_type3A_54 = arith.extui %gt3A_53 : i1 to i32
      %cond3A_55 = arith.constant 0 : i32
      %cond3A_56 = arith.cmpi ne, %convert_element_type3A_54, %cond3A_55 : i32
      scf.if %cond3A_56 {
        %sub3A_62 = arith.constant 2 : i32
        %sub3A_63 = arith.subi %arg0, %sub3A_62 : i32
        %mul3A = arith.constant 256 : i32
        %mul3A_64 = arith.muli %sub3A_63, %mul3A : i32
        %add3A_65 = arith.constant 128 : i32
        %add3A_66 = arith.addi %mul3A_64, %add3A_65 : i32
        %dma_wait3A = arith.constant 2 : i32
        %dma_wait3A_67 = tpu.memref_slice %arg11[%rem3A_0, %dma_wait3A] : memref<2x4x!tpu.dma_semaphore, #tpu.memory_space<semaphore_mem>> -> memref<1x1x!tpu.dma_semaphore, #tpu.memory_space<semaphore_mem>>
        %dma_wait3A_68 = tpu.memref_squeeze %dma_wait3A_67 : memref<1x1x!tpu.dma_semaphore, #tpu.memory_space<semaphore_mem>> -> memref<!tpu.dma_semaphore, #tpu.memory_space<semaphore_mem>>
        %dma_wait3A_69 = arith.constant 0 : i32
        %dma_wait3A_70 = tpu.memref_slice %arg7[%add3A_66, %dma_wait3A_69] : memref<16384x1024xf32, #tpu.memory_space<any>> -> memref<64x1024xf32, #tpu.memory_space<any>>
        %dma_wait3A_71 = arith.constant 128 : i32
        %dma_wait3A_72 = arith.constant 0 : i32
        %dma_wait3A_73 = tpu.memref_slice %arg9[%rem3A_0, %dma_wait3A_71, %dma_wait3A_72] : memref<2x256x1024xf32, #tpu.memory_space<vmem>> -> memref<1x64x1024xf32, #tpu.memory_space<vmem>>
        %dma_wait3A_74 = tpu.memref_squeeze %dma_wait3A_73 : memref<1x64x1024xf32, #tpu.memory_space<vmem>> -> memref<64x1024xf32, #tpu.memory_space<vmem>>
        tpu.wait_dma2 semaphore(%dma_wait3A_68 : memref<!tpu.dma_semaphore, #tpu.memory_space<semaphore_mem>>) src(%dma_wait3A_74 : memref<64x1024xf32, #tpu.memory_space<vmem>>) dst(%dma_wait3A_70 : memref<64x1024xf32, #tpu.memory_space<any>>)
      } else {
      }
      %gt3A_57 = arith.constant 192 : i32
      %gt3A_58 = arith.cmpi sgt, %get3A_41, %gt3A_57 : i32
      %convert_element_type3A_59 = arith.extui %gt3A_58 : i1 to i32
      %cond3A_60 = arith.constant 0 : i32
      %cond3A_61 = arith.cmpi ne, %convert_element_type3A_59, %cond3A_60 : i32
      scf.if %cond3A_61 {
        %sub3A_62 = arith.constant 2 : i32
        %sub3A_63 = arith.subi %arg0, %sub3A_62 : i32
        %mul3A = arith.constant 256 : i32
        %mul3A_64 = arith.muli %sub3A_63, %mul3A : i32
        %add3A_65 = arith.constant 192 : i32
        %add3A_66 = arith.addi %mul3A_64, %add3A_65 : i32
        %dma_wait3A = arith.constant 3 : i32
        %dma_wait3A_67 = tpu.memref_slice %arg11[%rem3A_0, %dma_wait3A] : memref<2x4x!tpu.dma_semaphore, #tpu.memory_space<semaphore_mem>> -> memref<1x1x!tpu.dma_semaphore, #tpu.memory_space<semaphore_mem>>
        %dma_wait3A_68 = tpu.memref_squeeze %dma_wait3A_67 : memref<1x1x!tpu.dma_semaphore, #tpu.memory_space<semaphore_mem>> -> memref<!tpu.dma_semaphore, #tpu.memory_space<semaphore_mem>>
        %dma_wait3A_69 = arith.constant 0 : i32
        %dma_wait3A_70 = tpu.memref_slice %arg7[%add3A_66, %dma_wait3A_69] : memref<16384x1024xf32, #tpu.memory_space<any>> -> memref<64x1024xf32, #tpu.memory_space<any>>
        %dma_wait3A_71 = arith.constant 192 : i32
        %dma_wait3A_72 = arith.constant 0 : i32
        %dma_wait3A_73 = tpu.memref_slice %arg9[%rem3A_0, %dma_wait3A_71, %dma_wait3A_72] : memref<2x256x1024xf32, #tpu.memory_space<vmem>> -> memref<1x64x1024xf32, #tpu.memory_space<vmem>>
        %dma_wait3A_74 = tpu.memref_squeeze %dma_wait3A_73 : memref<1x64x1024xf32, #tpu.memory_space<vmem>> -> memref<64x1024xf32, #tpu.memory_space<vmem>>
        tpu.wait_dma2 semaphore(%dma_wait3A_68 : memref<!tpu.dma_semaphore, #tpu.memory_space<semaphore_mem>>) src(%dma_wait3A_74 : memref<64x1024xf32, #tpu.memory_space<vmem>>) dst(%dma_wait3A_70 : memref<64x1024xf32, #tpu.memory_space<any>>)
      } else {
      }
    } else {
    }
    %get3A = arith.constant 0 : index
    %get3A_12 = arith.index_cast %arg0 : i32 to index
    %get3A_13 = memref.load %arg1[%get3A, %get3A_12] : memref<1x64xi32, #tpu.memory_space<smem>>
    %gt3A = arith.constant 0 : i32
    %gt3A_14 = arith.cmpi sgt, %get3A_13, %gt3A : i32
    %convert_element_type3A_15 = arith.extui %gt3A_14 : i1 to i32
    %cond3A_16 = arith.constant 0 : i32
    %cond3A_17 = arith.cmpi ne, %convert_element_type3A_15, %cond3A_16 : i32
    scf.if %cond3A_17 {
      %mul3A = arith.constant 256 : i32
      %mul3A_38 = arith.muli %arg0, %mul3A : i32
      %add3A_39 = arith.constant 0 : i32
      %add3A_40 = arith.addi %mul3A_38, %add3A_39 : i32
      %dma_wait3A = arith.constant 0 : i32
      %dma_wait3A_41 = tpu.memref_slice %arg10[%rem3A_0, %dma_wait3A] : memref<2x4x!tpu.dma_semaphore, #tpu.memory_space<semaphore_mem>> -> memref<1x1x!tpu.dma_semaphore, #tpu.memory_space<semaphore_mem>>
      %dma_wait3A_42 = tpu.memref_squeeze %dma_wait3A_41 : memref<1x1x!tpu.dma_semaphore, #tpu.memory_space<semaphore_mem>> -> memref<!tpu.dma_semaphore, #tpu.memory_space<semaphore_mem>>
      %dma_wait3A_43 = arith.constant 0 : i32
      %dma_wait3A_44 = arith.constant 0 : i32
      %dma_wait3A_45 = tpu.memref_slice %arg8[%rem3A_0, %dma_wait3A_43, %dma_wait3A_44] : memref<2x256x1024xf32, #tpu.memory_space<vmem>> -> memref<1x64x1024xf32, #tpu.memory_space<vmem>>
      %dma_wait3A_46 = tpu.memref_squeeze %dma_wait3A_45 : memref<1x64x1024xf32, #tpu.memory_space<vmem>> -> memref<64x1024xf32, #tpu.memory_space<vmem>>
      %dma_wait3A_47 = arith.constant 0 : i32
      %dma_wait3A_48 = tpu.memref_slice %arg2[%add3A_40, %dma_wait3A_47] : memref<16640x1024xf32, #tpu.memory_space<any>> -> memref<64x1024xf32, #tpu.memory_space<any>>
      tpu.wait_dma2 semaphore(%dma_wait3A_42 : memref<!tpu.dma_semaphore, #tpu.memory_space<semaphore_mem>>) src(%dma_wait3A_48 : memref<64x1024xf32, #tpu.memory_space<any>>) dst(%dma_wait3A_46 : memref<64x1024xf32, #tpu.memory_space<vmem>>)
      %get3A_49 = arith.index_cast %rem3A_0 : i32 to index
      %get3A_50 = arith.constant 0 : index
      %get3A_51 = arith.constant 0 : index
      %get3A_52 = vector.load %arg8[%get3A_49, %get3A_50, %get3A_51] : memref<2x256x1024xf32, #tpu.memory_space<vmem>>, vector<1x64x1024xf32>
      %get3A_53 = vector.shape_cast %get3A_52 : vector<1x64x1024xf32> to vector<64x1024xf32>
      %get3A_54 = arith.constant 0 : index
      %get3A_55 = arith.constant 0 : index
      %get3A_56 = arith.constant 0 : index
      %get3A_57 = vector.load %arg3[%get3A_54, %get3A_55, %get3A_56] : memref<1x1024x1024xf32, #tpu.memory_space<vmem>>, vector<1x1024x1024xf32>
      %get3A_58 = vector.shape_cast %get3A_57 : vector<1x1024x1024xf32> to vector<1024x1024xf32>
      %dot_general3A = arith.constant dense<0.000000e+00> : vector<64x1024xf32>
      %dot_general3A_59 = tpu.matmul %get3A_53, %get3A_58, %dot_general3A {dimension_numbers = #tpu.dot_dimension_numbers<[1], [0], [0], [1], [0, 0, 1, 1], [], []>, transpose_lhs_hint = false} : vector<64x1024xf32>, vector<1024x1024xf32>, vector<64x1024xf32> -> vector<64x1024xf32>
      %get3A_60 = arith.index_cast %arg0 : i32 to index
      %get3A_61 = arith.constant 0 : index
      %get3A_62 = vector.load %arg4[%get3A_60, %get3A_61] : memref<64x1024xf32, #tpu.memory_space<vmem>>, vector<1x1024xf32>
      %add3A_63 = vector.broadcast %get3A_62 : vector<1x1024xf32> to vector<64x1024xf32>
      %add3A_64 = arith.addf %dot_general3A_59, %add3A_63 : vector<64x1024xf32>
      %max3A = arith.constant 0.000000e+00 : f32
      %max3A_65 = vector.broadcast %max3A : f32 to vector<64x1024xf32>
      %max3A_66 = arith.maximumf %add3A_64, %max3A_65 : vector<64x1024xf32>
      %get3A_67 = arith.constant 0 : index
      %get3A_68 = arith.constant 0 : index
      %get3A_69 = arith.constant 0 : index
      %get3A_70 = vector.load %arg5[%get3A_67, %get3A_68, %get3A_69] : memref<1x1024x1024xf32, #tpu.memory_space<vmem>>, vector<1x1024x1024xf32>
      %get3A_71 = vector.shape_cast %get3A_70 : vector<1x1024x1024xf32> to vector<1024x1024xf32>
      %dot_general3A_72 = arith.constant dense<0.000000e+00> : vector<64x1024xf32>
      %dot_general3A_73 = tpu.matmul %max3A_66, %get3A_71, %dot_general3A_72 {dimension_numbers = #tpu.dot_dimension_numbers<[1], [0], [0], [1], [0, 0, 1, 1], [], []>, transpose_lhs_hint = false} : vector<64x1024xf32>, vector<1024x1024xf32>, vector<64x1024xf32> -> vector<64x1024xf32>
      %get3A_74 = arith.index_cast %arg0 : i32 to index
      %get3A_75 = arith.constant 0 : index
      %get3A_76 = vector.load %arg6[%get3A_74, %get3A_75] : memref<64x1024xf32, #tpu.memory_space<vmem>>, vector<1x1024xf32>
      %add3A_77 = vector.broadcast %get3A_76 : vector<1x1024xf32> to vector<64x1024xf32>
      %add3A_78 = arith.addf %dot_general3A_73, %add3A_77 : vector<64x1024xf32>
      %swap3A = arith.index_cast %rem3A_0 : i32 to index
      %swap3A_79 = arith.constant 0 : index
      %swap3A_80 = arith.constant 0 : index
      %swap3A_81 = vector.load %arg9[%swap3A, %swap3A_79, %swap3A_80] : memref<2x256x1024xf32, #tpu.memory_space<vmem>>, vector<1x64x1024xf32>
      %swap3A_82 = vector.shape_cast %swap3A_81 : vector<1x64x1024xf32> to vector<64x1024xf32>
      %swap3A_83 = vector.shape_cast %add3A_78 : vector<64x1024xf32> to vector<1x64x1024xf32>
      tpu.vector_store %arg9[%swap3A, %swap3A_79, %swap3A_80], %swap3A_83 {strides = array<i32>} : memref<2x256x1024xf32, #tpu.memory_space<vmem>>, vector<1x64x1024xf32>,
      %mul3A_84 = arith.constant 256 : i32
      %mul3A_85 = arith.muli %arg0, %mul3A_84 : i32
      %add3A_86 = arith.constant 0 : i32
      %add3A_87 = arith.addi %mul3A_85, %add3A_86 : i32
      %dma_start3A = arith.constant 0 : i32
      %dma_start3A_88 = tpu.memref_slice %arg11[%rem3A_0, %dma_start3A] : memref<2x4x!tpu.dma_semaphore, #tpu.memory_space<semaphore_mem>> -> memref<1x1x!tpu.dma_semaphore, #tpu.memory_space<semaphore_mem>>
      %dma_start3A_89 = tpu.memref_squeeze %dma_start3A_88 : memref<1x1x!tpu.dma_semaphore, #tpu.memory_space<semaphore_mem>> -> memref<!tpu.dma_semaphore, #tpu.memory_space<semaphore_mem>>
      %dma_start3A_90 = arith.constant 0 : i32
      %dma_start3A_91 = tpu.memref_slice %arg7[%add3A_87, %dma_start3A_90] : memref<16384x1024xf32, #tpu.memory_space<any>> -> memref<64x1024xf32, #tpu.memory_space<any>>
      %dma_start3A_92 = arith.constant 0 : i32
      %dma_start3A_93 = arith.constant 0 : i32
      %dma_start3A_94 = tpu.memref_slice %arg9[%rem3A_0, %dma_start3A_92, %dma_start3A_93] : memref<2x256x1024xf32, #tpu.memory_space<vmem>> -> memref<1x64x1024xf32, #tpu.memory_space<vmem>>
      %dma_start3A_95 = tpu.memref_squeeze %dma_start3A_94 : memref<1x64x1024xf32, #tpu.memory_space<vmem>> -> memref<64x1024xf32, #tpu.memory_space<vmem>>
      tpu.enqueue_dma source(%dma_start3A_95 : memref<64x1024xf32, #tpu.memory_space<vmem>>) target(%dma_start3A_91 : memref<64x1024xf32, #tpu.memory_space<any>>) target_semaphore(%dma_start3A_89 : memref<!tpu.dma_semaphore, #tpu.memory_space<semaphore_mem>>)
    } else {
    }
    %gt3A_18 = arith.constant 64 : i32
    %gt3A_19 = arith.cmpi sgt, %get3A_13, %gt3A_18 : i32
    %convert_element_type3A_20 = arith.extui %gt3A_19 : i1 to i32
    %cond3A_21 = arith.constant 0 : i32
    %cond3A_22 = arith.cmpi ne, %convert_element_type3A_20, %cond3A_21 : i32
    scf.if %cond3A_22 {
      %mul3A = arith.constant 256 : i32
      %mul3A_38 = arith.muli %arg0, %mul3A : i32
      %add3A_39 = arith.constant 64 : i32
      %add3A_40 = arith.addi %mul3A_38, %add3A_39 : i32
      %dma_wait3A = arith.constant 1 : i32
      %dma_wait3A_41 = tpu.memref_slice %arg10[%rem3A_0, %dma_wait3A] : memref<2x4x!tpu.dma_semaphore, #tpu.memory_space<semaphore_mem>> -> memref<1x1x!tpu.dma_semaphore, #tpu.memory_space<semaphore_mem>>
      %dma_wait3A_42 = tpu.memref_squeeze %dma_wait3A_41 : memref<1x1x!tpu.dma_semaphore, #tpu.memory_space<semaphore_mem>> -> memref<!tpu.dma_semaphore, #tpu.memory_space<semaphore_mem>>
      %dma_wait3A_43 = arith.constant 64 : i32
      %dma_wait3A_44 = arith.constant 0 : i32
      %dma_wait3A_45 = tpu.memref_slice %arg8[%rem3A_0, %dma_wait3A_43, %dma_wait3A_44] : memref<2x256x1024xf32, #tpu.memory_space<vmem>> -> memref<1x64x1024xf32, #tpu.memory_space<vmem>>
      %dma_wait3A_46 = tpu.memref_squeeze %dma_wait3A_45 : memref<1x64x1024xf32, #tpu.memory_space<vmem>> -> memref<64x1024xf32, #tpu.memory_space<vmem>>
      %dma_wait3A_47 = arith.constant 0 : i32
      %dma_wait3A_48 = tpu.memref_slice %arg2[%add3A_40, %dma_wait3A_47] : memref<16640x1024xf32, #tpu.memory_space<any>> -> memref<64x1024xf32, #tpu.memory_space<any>>
      tpu.wait_dma2 semaphore(%dma_wait3A_42 : memref<!tpu.dma_semaphore, #tpu.memory_space<semaphore_mem>>) src(%dma_wait3A_48 : memref<64x1024xf32, #tpu.memory_space<any>>) dst(%dma_wait3A_46 : memref<64x1024xf32, #tpu.memory_space<vmem>>)
      %get3A_49 = arith.index_cast %rem3A_0 : i32 to index
      %get3A_50 = arith.constant 64 : index
      %get3A_51 = arith.constant 0 : index
      %get3A_52 = vector.load %arg8[%get3A_49, %get3A_50, %get3A_51] : memref<2x256x1024xf32, #tpu.memory_space<vmem>>, vector<1x64x1024xf32>
      %get3A_53 = vector.shape_cast %get3A_52 : vector<1x64x1024xf32> to vector<64x1024xf32>
      %get3A_54 = arith.constant 0 : index
      %get3A_55 = arith.constant 0 : index
      %get3A_56 = arith.constant 0 : index
      %get3A_57 = vector.load %arg3[%get3A_54, %get3A_55, %get3A_56] : memref<1x1024x1024xf32, #tpu.memory_space<vmem>>, vector<1x1024x1024xf32>
      %get3A_58 = vector.shape_cast %get3A_57 : vector<1x1024x1024xf32> to vector<1024x1024xf32>
      %dot_general3A = arith.constant dense<0.000000e+00> : vector<64x1024xf32>
      %dot_general3A_59 = tpu.matmul %get3A_53, %get3A_58, %dot_general3A {dimension_numbers = #tpu.dot_dimension_numbers<[1], [0], [0], [1], [0, 0, 1, 1], [], []>, transpose_lhs_hint = false} : vector<64x1024xf32>, vector<1024x1024xf32>, vector<64x1024xf32> -> vector<64x1024xf32>
      %get3A_60 = arith.index_cast %arg0 : i32 to index
      %get3A_61 = arith.constant 0 : index
      %get3A_62 = vector.load %arg4[%get3A_60, %get3A_61] : memref<64x1024xf32, #tpu.memory_space<vmem>>, vector<1x1024xf32>
      %add3A_63 = vector.broadcast %get3A_62 : vector<1x1024xf32> to vector<64x1024xf32>
      %add3A_64 = arith.addf %dot_general3A_59, %add3A_63 : vector<64x1024xf32>
      %max3A = arith.constant 0.000000e+00 : f32
      %max3A_65 = vector.broadcast %max3A : f32 to vector<64x1024xf32>
      %max3A_66 = arith.maximumf %add3A_64, %max3A_65 : vector<64x1024xf32>
      %get3A_67 = arith.constant 0 : index
      %get3A_68 = arith.constant 0 : index
      %get3A_69 = arith.constant 0 : index
      %get3A_70 = vector.load %arg5[%get3A_67, %get3A_68, %get3A_69] : memref<1x1024x1024xf32, #tpu.memory_space<vmem>>, vector<1x1024x1024xf32>
      %get3A_71 = vector.shape_cast %get3A_70 : vector<1x1024x1024xf32> to vector<1024x1024xf32>
      %dot_general3A_72 = arith.constant dense<0.000000e+00> : vector<64x1024xf32>
      %dot_general3A_73 = tpu.matmul %max3A_66, %get3A_71, %dot_general3A_72 {dimension_numbers = #tpu.dot_dimension_numbers<[1], [0], [0], [1], [0, 0, 1, 1], [], []>, transpose_lhs_hint = false} : vector<64x1024xf32>, vector<1024x1024xf32>, vector<64x1024xf32> -> vector<64x1024xf32>
      %get3A_74 = arith.index_cast %arg0 : i32 to index
      %get3A_75 = arith.constant 0 : index
      %get3A_76 = vector.load %arg6[%get3A_74, %get3A_75] : memref<64x1024xf32, #tpu.memory_space<vmem>>, vector<1x1024xf32>
      %add3A_77 = vector.broadcast %get3A_76 : vector<1x1024xf32> to vector<64x1024xf32>
      %add3A_78 = arith.addf %dot_general3A_73, %add3A_77 : vector<64x1024xf32>
      %swap3A = arith.index_cast %rem3A_0 : i32 to index
      %swap3A_79 = arith.constant 64 : index
      %swap3A_80 = arith.constant 0 : index
      %swap3A_81 = vector.load %arg9[%swap3A, %swap3A_79, %swap3A_80] : memref<2x256x1024xf32, #tpu.memory_space<vmem>>, vector<1x64x1024xf32>
      %swap3A_82 = vector.shape_cast %swap3A_81 : vector<1x64x1024xf32> to vector<64x1024xf32>
      %swap3A_83 = vector.shape_cast %add3A_78 : vector<64x1024xf32> to vector<1x64x1024xf32>
      tpu.vector_store %arg9[%swap3A, %swap3A_79, %swap3A_80], %swap3A_83 {strides = array<i32>} : memref<2x256x1024xf32, #tpu.memory_space<vmem>>, vector<1x64x1024xf32>,
      %mul3A_84 = arith.constant 256 : i32
      %mul3A_85 = arith.muli %arg0, %mul3A_84 : i32
      %add3A_86 = arith.constant 64 : i32
      %add3A_87 = arith.addi %mul3A_85, %add3A_86 : i32
      %dma_start3A = arith.constant 1 : i32
      %dma_start3A_88 = tpu.memref_slice %arg11[%rem3A_0, %dma_start3A] : memref<2x4x!tpu.dma_semaphore, #tpu.memory_space<semaphore_mem>> -> memref<1x1x!tpu.dma_semaphore, #tpu.memory_space<semaphore_mem>>
      %dma_start3A_89 = tpu.memref_squeeze %dma_start3A_88 : memref<1x1x!tpu.dma_semaphore, #tpu.memory_space<semaphore_mem>> -> memref<!tpu.dma_semaphore, #tpu.memory_space<semaphore_mem>>
      %dma_start3A_90 = arith.constant 0 : i32
      %dma_start3A_91 = tpu.memref_slice %arg7[%add3A_87, %dma_start3A_90] : memref<16384x1024xf32, #tpu.memory_space<any>> -> memref<64x1024xf32, #tpu.memory_space<any>>
      %dma_start3A_92 = arith.constant 64 : i32
      %dma_start3A_93 = arith.constant 0 : i32
      %dma_start3A_94 = tpu.memref_slice %arg9[%rem3A_0, %dma_start3A_92, %dma_start3A_93] : memref<2x256x1024xf32, #tpu.memory_space<vmem>> -> memref<1x64x1024xf32, #tpu.memory_space<vmem>>
      %dma_start3A_95 = tpu.memref_squeeze %dma_start3A_94 : memref<1x64x1024xf32, #tpu.memory_space<vmem>> -> memref<64x1024xf32, #tpu.memory_space<vmem>>
      tpu.enqueue_dma source(%dma_start3A_95 : memref<64x1024xf32, #tpu.memory_space<vmem>>) target(%dma_start3A_91 : memref<64x1024xf32, #tpu.memory_space<any>>) target_semaphore(%dma_start3A_89 : memref<!tpu.dma_semaphore, #tpu.memory_space<semaphore_mem>>)
    } else {
    }
    %gt3A_23 = arith.constant 128 : i32
    %gt3A_24 = arith.cmpi sgt, %get3A_13, %gt3A_23 : i32
    %convert_element_type3A_25 = arith.extui %gt3A_24 : i1 to i32
    %cond3A_26 = arith.constant 0 : i32
    %cond3A_27 = arith.cmpi ne, %convert_element_type3A_25, %cond3A_26 : i32
    scf.if %cond3A_27 {
      %mul3A = arith.constant 256 : i32
      %mul3A_38 = arith.muli %arg0, %mul3A : i32
      %add3A_39 = arith.constant 128 : i32
      %add3A_40 = arith.addi %mul3A_38, %add3A_39 : i32
      %dma_wait3A = arith.constant 2 : i32
      %dma_wait3A_41 = tpu.memref_slice %arg10[%rem3A_0, %dma_wait3A] : memref<2x4x!tpu.dma_semaphore, #tpu.memory_space<semaphore_mem>> -> memref<1x1x!tpu.dma_semaphore, #tpu.memory_space<semaphore_mem>>
      %dma_wait3A_42 = tpu.memref_squeeze %dma_wait3A_41 : memref<1x1x!tpu.dma_semaphore, #tpu.memory_space<semaphore_mem>> -> memref<!tpu.dma_semaphore, #tpu.memory_space<semaphore_mem>>
      %dma_wait3A_43 = arith.constant 128 : i32
      %dma_wait3A_44 = arith.constant 0 : i32
      %dma_wait3A_45 = tpu.memref_slice %arg8[%rem3A_0, %dma_wait3A_43, %dma_wait3A_44] : memref<2x256x1024xf32, #tpu.memory_space<vmem>> -> memref<1x64x1024xf32, #tpu.memory_space<vmem>>
      %dma_wait3A_46 = tpu.memref_squeeze %dma_wait3A_45 : memref<1x64x1024xf32, #tpu.memory_space<vmem>> -> memref<64x1024xf32, #tpu.memory_space<vmem>>
      %dma_wait3A_47 = arith.constant 0 : i32
      %dma_wait3A_48 = tpu.memref_slice %arg2[%add3A_40, %dma_wait3A_47] : memref<16640x1024xf32, #tpu.memory_space<any>> -> memref<64x1024xf32, #tpu.memory_space<any>>
      tpu.wait_dma2 semaphore(%dma_wait3A_42 : memref<!tpu.dma_semaphore, #tpu.memory_space<semaphore_mem>>) src(%dma_wait3A_48 : memref<64x1024xf32, #tpu.memory_space<any>>) dst(%dma_wait3A_46 : memref<64x1024xf32, #tpu.memory_space<vmem>>)
      %get3A_49 = arith.index_cast %rem3A_0 : i32 to index
      %get3A_50 = arith.constant 128 : index
      %get3A_51 = arith.constant 0 : index
      %get3A_52 = vector.load %arg8[%get3A_49, %get3A_50, %get3A_51] : memref<2x256x1024xf32, #tpu.memory_space<vmem>>, vector<1x64x1024xf32>
      %get3A_53 = vector.shape_cast %get3A_52 : vector<1x64x1024xf32> to vector<64x1024xf32>
      %get3A_54 = arith.constant 0 : index
      %get3A_55 = arith.constant 0 : index
      %get3A_56 = arith.constant 0 : index
      %get3A_57 = vector.load %arg3[%get3A_54, %get3A_55, %get3A_56] : memref<1x1024x1024xf32, #tpu.memory_space<vmem>>, vector<1x1024x1024xf32>
      %get3A_58 = vector.shape_cast %get3A_57 : vector<1x1024x1024xf32> to vector<1024x1024xf32>
      %dot_general3A = arith.constant dense<0.000000e+00> : vector<64x1024xf32>
      %dot_general3A_59 = tpu.matmul %get3A_53, %get3A_58, %dot_general3A {dimension_numbers = #tpu.dot_dimension_numbers<[1], [0], [0], [1], [0, 0, 1, 1], [], []>, transpose_lhs_hint = false} : vector<64x1024xf32>, vector<1024x1024xf32>, vector<64x1024xf32> -> vector<64x1024xf32>
      %get3A_60 = arith.index_cast %arg0 : i32 to index
      %get3A_61 = arith.constant 0 : index
      %get3A_62 = vector.load %arg4[%get3A_60, %get3A_61] : memref<64x1024xf32, #tpu.memory_space<vmem>>, vector<1x1024xf32>
      %add3A_63 = vector.broadcast %get3A_62 : vector<1x1024xf32> to vector<64x1024xf32>
      %add3A_64 = arith.addf %dot_general3A_59, %add3A_63 : vector<64x1024xf32>
      %max3A = arith.constant 0.000000e+00 : f32
      %max3A_65 = vector.broadcast %max3A : f32 to vector<64x1024xf32>
      %max3A_66 = arith.maximumf %add3A_64, %max3A_65 : vector<64x1024xf32>
      %get3A_67 = arith.constant 0 : index
      %get3A_68 = arith.constant 0 : index
      %get3A_69 = arith.constant 0 : index
      %get3A_70 = vector.load %arg5[%get3A_67, %get3A_68, %get3A_69] : memref<1x1024x1024xf32, #tpu.memory_space<vmem>>, vector<1x1024x1024xf32>
      %get3A_71 = vector.shape_cast %get3A_70 : vector<1x1024x1024xf32> to vector<1024x1024xf32>
      %dot_general3A_72 = arith.constant dense<0.000000e+00> : vector<64x1024xf32>
      %dot_general3A_73 = tpu.matmul %max3A_66, %get3A_71, %dot_general3A_72 {dimension_numbers = #tpu.dot_dimension_numbers<[1], [0], [0], [1], [0, 0, 1, 1], [], []>, transpose_lhs_hint = false} : vector<64x1024xf32>, vector<1024x1024xf32>, vector<64x1024xf32> -> vector<64x1024xf32>
      %get3A_74 = arith.index_cast %arg0 : i32 to index
      %get3A_75 = arith.constant 0 : index
      %get3A_76 = vector.load %arg6[%get3A_74, %get3A_75] : memref<64x1024xf32, #tpu.memory_space<vmem>>, vector<1x1024xf32>
      %add3A_77 = vector.broadcast %get3A_76 : vector<1x1024xf32> to vector<64x1024xf32>
      %add3A_78 = arith.addf %dot_general3A_73, %add3A_77 : vector<64x1024xf32>
      %swap3A = arith.index_cast %rem3A_0 : i32 to index
      %swap3A_79 = arith.constant 128 : index
      %swap3A_80 = arith.constant 0 : index
      %swap3A_81 = vector.load %arg9[%swap3A, %swap3A_79, %swap3A_80] : memref<2x256x1024xf32, #tpu.memory_space<vmem>>, vector<1x64x1024xf32>
      %swap3A_82 = vector.shape_cast %swap3A_81 : vector<1x64x1024xf32> to vector<64x1024xf32>
      %swap3A_83 = vector.shape_cast %add3A_78 : vector<64x1024xf32> to vector<1x64x1024xf32>
      tpu.vector_store %arg9[%swap3A, %swap3A_79, %swap3A_80], %swap3A_83 {strides = array<i32>} : memref<2x256x1024xf32, #tpu.memory_space<vmem>>, vector<1x64x1024xf32>,
      %mul3A_84 = arith.constant 256 : i32
      %mul3A_85 = arith.muli %arg0, %mul3A_84 : i32
      %add3A_86 = arith.constant 128 : i32
      %add3A_87 = arith.addi %mul3A_85, %add3A_86 : i32
      %dma_start3A = arith.constant 2 : i32
      %dma_start3A_88 = tpu.memref_slice %arg11[%rem3A_0, %dma_start3A] : memref<2x4x!tpu.dma_semaphore, #tpu.memory_space<semaphore_mem>> -> memref<1x1x!tpu.dma_semaphore, #tpu.memory_space<semaphore_mem>>
      %dma_start3A_89 = tpu.memref_squeeze %dma_start3A_88 : memref<1x1x!tpu.dma_semaphore, #tpu.memory_space<semaphore_mem>> -> memref<!tpu.dma_semaphore, #tpu.memory_space<semaphore_mem>>
      %dma_start3A_90 = arith.constant 0 : i32
      %dma_start3A_91 = tpu.memref_slice %arg7[%add3A_87, %dma_start3A_90] : memref<16384x1024xf32, #tpu.memory_space<any>> -> memref<64x1024xf32, #tpu.memory_space<any>>
      %dma_start3A_92 = arith.constant 128 : i32
      %dma_start3A_93 = arith.constant 0 : i32
      %dma_start3A_94 = tpu.memref_slice %arg9[%rem3A_0, %dma_start3A_92, %dma_start3A_93] : memref<2x256x1024xf32, #tpu.memory_space<vmem>> -> memref<1x64x1024xf32, #tpu.memory_space<vmem>>
      %dma_start3A_95 = tpu.memref_squeeze %dma_start3A_94 : memref<1x64x1024xf32, #tpu.memory_space<vmem>> -> memref<64x1024xf32, #tpu.memory_space<vmem>>
      tpu.enqueue_dma source(%dma_start3A_95 : memref<64x1024xf32, #tpu.memory_space<vmem>>) target(%dma_start3A_91 : memref<64x1024xf32, #tpu.memory_space<any>>) target_semaphore(%dma_start3A_89 : memref<!tpu.dma_semaphore, #tpu.memory_space<semaphore_mem>>)
    } else {
    }
    %gt3A_28 = arith.constant 192 : i32
    %gt3A_29 = arith.cmpi sgt, %get3A_13, %gt3A_28 : i32
    %convert_element_type3A_30 = arith.extui %gt3A_29 : i1 to i32
    %cond3A_31 = arith.constant 0 : i32
    %cond3A_32 = arith.cmpi ne, %convert_element_type3A_30, %cond3A_31 : i32
    scf.if %cond3A_32 {
      %mul3A = arith.constant 256 : i32
      %mul3A_38 = arith.muli %arg0, %mul3A : i32
      %add3A_39 = arith.constant 192 : i32
      %add3A_40 = arith.addi %mul3A_38, %add3A_39 : i32
      %dma_wait3A = arith.constant 3 : i32
      %dma_wait3A_41 = tpu.memref_slice %arg10[%rem3A_0, %dma_wait3A] : memref<2x4x!tpu.dma_semaphore, #tpu.memory_space<semaphore_mem>> -> memref<1x1x!tpu.dma_semaphore, #tpu.memory_space<semaphore_mem>>
      %dma_wait3A_42 = tpu.memref_squeeze %dma_wait3A_41 : memref<1x1x!tpu.dma_semaphore, #tpu.memory_space<semaphore_mem>> -> memref<!tpu.dma_semaphore, #tpu.memory_space<semaphore_mem>>
      %dma_wait3A_43 = arith.constant 192 : i32
      %dma_wait3A_44 = arith.constant 0 : i32
      %dma_wait3A_45 = tpu.memref_slice %arg8[%rem3A_0, %dma_wait3A_43, %dma_wait3A_44] : memref<2x256x1024xf32, #tpu.memory_space<vmem>> -> memref<1x64x1024xf32, #tpu.memory_space<vmem>>
      %dma_wait3A_46 = tpu.memref_squeeze %dma_wait3A_45 : memref<1x64x1024xf32, #tpu.memory_space<vmem>> -> memref<64x1024xf32, #tpu.memory_space<vmem>>
      %dma_wait3A_47 = arith.constant 0 : i32
      %dma_wait3A_48 = tpu.memref_slice %arg2[%add3A_40, %dma_wait3A_47] : memref<16640x1024xf32, #tpu.memory_space<any>> -> memref<64x1024xf32, #tpu.memory_space<any>>
      tpu.wait_dma2 semaphore(%dma_wait3A_42 : memref<!tpu.dma_semaphore, #tpu.memory_space<semaphore_mem>>) src(%dma_wait3A_48 : memref<64x1024xf32, #tpu.memory_space<any>>) dst(%dma_wait3A_46 : memref<64x1024xf32, #tpu.memory_space<vmem>>)
      %get3A_49 = arith.index_cast %rem3A_0 : i32 to index
      %get3A_50 = arith.constant 192 : index
      %get3A_51 = arith.constant 0 : index
      %get3A_52 = vector.load %arg8[%get3A_49, %get3A_50, %get3A_51] : memref<2x256x1024xf32, #tpu.memory_space<vmem>>, vector<1x64x1024xf32>
      %get3A_53 = vector.shape_cast %get3A_52 : vector<1x64x1024xf32> to vector<64x1024xf32>
      %get3A_54 = arith.constant 0 : index
      %get3A_55 = arith.constant 0 : index
      %get3A_56 = arith.constant 0 : index
      %get3A_57 = vector.load %arg3[%get3A_54, %get3A_55, %get3A_56] : memref<1x1024x1024xf32, #tpu.memory_space<vmem>>, vector<1x1024x1024xf32>
      %get3A_58 = vector.shape_cast %get3A_57 : vector<1x1024x1024xf32> to vector<1024x1024xf32>
      %dot_general3A = arith.constant dense<0.000000e+00> : vector<64x1024xf32>
      %dot_general3A_59 = tpu.matmul %get3A_53, %get3A_58, %dot_general3A {dimension_numbers = #tpu.dot_dimension_numbers<[1], [0], [0], [1], [0, 0, 1, 1], [], []>, transpose_lhs_hint = false} : vector<64x1024xf32>, vector<1024x1024xf32>, vector<64x1024xf32> -> vector<64x1024xf32>
      %get3A_60 = arith.index_cast %arg0 : i32 to index
      %get3A_61 = arith.constant 0 : index
      %get3A_62 = vector.load %arg4[%get3A_60, %get3A_61] : memref<64x1024xf32, #tpu.memory_space<vmem>>, vector<1x1024xf32>
      %add3A_63 = vector.broadcast %get3A_62 : vector<1x1024xf32> to vector<64x1024xf32>
      %add3A_64 = arith.addf %dot_general3A_59, %add3A_63 : vector<64x1024xf32>
      %max3A = arith.constant 0.000000e+00 : f32
      %max3A_65 = vector.broadcast %max3A : f32 to vector<64x1024xf32>
      %max3A_66 = arith.maximumf %add3A_64, %max3A_65 : vector<64x1024xf32>
      %get3A_67 = arith.constant 0 : index
      %get3A_68 = arith.constant 0 : index
      %get3A_69 = arith.constant 0 : index
      %get3A_70 = vector.load %arg5[%get3A_67, %get3A_68, %get3A_69] : memref<1x1024x1024xf32, #tpu.memory_space<vmem>>, vector<1x1024x1024xf32>
      %get3A_71 = vector.shape_cast %get3A_70 : vector<1x1024x1024xf32> to vector<1024x1024xf32>
      %dot_general3A_72 = arith.constant dense<0.000000e+00> : vector<64x1024xf32>
      %dot_general3A_73 = tpu.matmul %max3A_66, %get3A_71, %dot_general3A_72 {dimension_numbers = #tpu.dot_dimension_numbers<[1], [0], [0], [1], [0, 0, 1, 1], [], []>, transpose_lhs_hint = false} : vector<64x1024xf32>, vector<1024x1024xf32>, vector<64x1024xf32> -> vector<64x1024xf32>
      %get3A_74 = arith.index_cast %arg0 : i32 to index
      %get3A_75 = arith.constant 0 : index
      %get3A_76 = vector.load %arg6[%get3A_74, %get3A_75] : memref<64x1024xf32, #tpu.memory_space<vmem>>, vector<1x1024xf32>
      %add3A_77 = vector.broadcast %get3A_76 : vector<1x1024xf32> to vector<64x1024xf32>
      %add3A_78 = arith.addf %dot_general3A_73, %add3A_77 : vector<64x1024xf32>
      %swap3A = arith.index_cast %rem3A_0 : i32 to index
      %swap3A_79 = arith.constant 192 : index
      %swap3A_80 = arith.constant 0 : index
      %swap3A_81 = vector.load %arg9[%swap3A, %swap3A_79, %swap3A_80] : memref<2x256x1024xf32, #tpu.memory_space<vmem>>, vector<1x64x1024xf32>
      %swap3A_82 = vector.shape_cast %swap3A_81 : vector<1x64x1024xf32> to vector<64x1024xf32>
      %swap3A_83 = vector.shape_cast %add3A_78 : vector<64x1024xf32> to vector<1x64x1024xf32>
      tpu.vector_store %arg9[%swap3A, %swap3A_79, %swap3A_80], %swap3A_83 {strides = array<i32>} : memref<2x256x1024xf32, #tpu.memory_space<vmem>>, vector<1x64x1024xf32>,
      %mul3A_84 = arith.constant 256 : i32
      %mul3A_85 = arith.muli %arg0, %mul3A_84 : i32
      %add3A_86 = arith.constant 192 : i32
      %add3A_87 = arith.addi %mul3A_85, %add3A_86 : i32
      %dma_start3A = arith.constant 3 : i32
      %dma_start3A_88 = tpu.memref_slice %arg11[%rem3A_0, %dma_start3A] : memref<2x4x!tpu.dma_semaphore, #tpu.memory_space<semaphore_mem>> -> memref<1x1x!tpu.dma_semaphore, #tpu.memory_space<semaphore_mem>>
      %dma_start3A_89 = tpu.memref_squeeze %dma_start3A_88 : memref<1x1x!tpu.dma_semaphore, #tpu.memory_space<semaphore_mem>> -> memref<!tpu.dma_semaphore, #tpu.memory_space<semaphore_mem>>
      %dma_start3A_90 = arith.constant 0 : i32
      %dma_start3A_91 = tpu.memref_slice %arg7[%add3A_87, %dma_start3A_90] : memref<16384x1024xf32, #tpu.memory_space<any>> -> memref<64x1024xf32, #tpu.memory_space<any>>
      %dma_start3A_92 = arith.constant 192 : i32
      %dma_start3A_93 = arith.constant 0 : i32
      %dma_start3A_94 = tpu.memref_slice %arg9[%rem3A_0, %dma_start3A_92, %dma_start3A_93] : memref<2x256x1024xf32, #tpu.memory_space<vmem>> -> memref<1x64x1024xf32, #tpu.memory_space<vmem>>
      %dma_start3A_95 = tpu.memref_squeeze %dma_start3A_94 : memref<1x64x1024xf32, #tpu.memory_space<vmem>> -> memref<64x1024xf32, #tpu.memory_space<vmem>>
      tpu.enqueue_dma source(%dma_start3A_95 : memref<64x1024xf32, #tpu.memory_space<vmem>>) target(%dma_start3A_91 : memref<64x1024xf32, #tpu.memory_space<any>>) target_semaphore(%dma_start3A_89 : memref<!tpu.dma_semaphore, #tpu.memory_space<semaphore_mem>>)
    } else {
    }
    %eq3A_33 = arith.constant 63 : i32
    %eq3A_34 = arith.cmpi eq, %arg0, %eq3A_33 : i32
    %convert_element_type3A_35 = arith.extui %eq3A_34 : i1 to i32
    %cond3A_36 = arith.constant 0 : i32
    %cond3A_37 = arith.cmpi ne, %convert_element_type3A_35, %cond3A_36 : i32
    scf.if %cond3A_37 {
      %get3A_38 = arith.constant 0 : index
      %get3A_39 = arith.constant 62 : index
      %get3A_40 = memref.load %arg1[%get3A_38, %get3A_39] : memref<1x64xi32, #tpu.memory_space<smem>>
      %gt3A_41 = arith.constant 0 : i32
      %gt3A_42 = arith.cmpi sgt, %get3A_40, %gt3A_41 : i32
      %convert_element_type3A_43 = arith.extui %gt3A_42 : i1 to i32
      %cond3A_44 = arith.constant 0 : i32
      %cond3A_45 = arith.cmpi ne, %convert_element_type3A_43, %cond3A_44 : i32
      scf.if %cond3A_45 {
        %dma_wait3A = arith.constant 0 : i32
        %dma_wait3A_84 = arith.constant 0 : i32
        %dma_wait3A_85 = arith.constant 0 : i32
        %dma_wait3A_86 = tpu.memref_slice %arg11[%dma_wait3A_84, %dma_wait3A_85] : memref<2x4x!tpu.dma_semaphore, #tpu.memory_space<semaphore_mem>> -> memref<1x1x!tpu.dma_semaphore, #tpu.memory_space<semaphore_mem>>
        %dma_wait3A_87 = tpu.memref_squeeze %dma_wait3A_86 : memref<1x1x!tpu.dma_semaphore, #tpu.memory_space<semaphore_mem>> -> memref<!tpu.dma_semaphore, #tpu.memory_space<semaphore_mem>>
        %dma_wait3A_88 = arith.constant 15872 : i32
        %dma_wait3A_89 = arith.constant 0 : i32
        %dma_wait3A_90 = tpu.memref_slice %arg7[%dma_wait3A_88, %dma_wait3A_89] : memref<16384x1024xf32, #tpu.memory_space<any>> -> memref<64x1024xf32, #tpu.memory_space<any>>
        %dma_wait3A_91 = arith.constant 0 : i32
        %dma_wait3A_92 = arith.constant 0 : i32
        %dma_wait3A_93 = tpu.memref_slice %arg9[%dma_wait3A, %dma_wait3A_91, %dma_wait3A_92] : memref<2x256x1024xf32, #tpu.memory_space<vmem>> -> memref<1x64x1024xf32, #tpu.memory_space<vmem>>
        %dma_wait3A_94 = tpu.memref_squeeze %dma_wait3A_93 : memref<1x64x1024xf32, #tpu.memory_space<vmem>> -> memref<64x1024xf32, #tpu.memory_space<vmem>>
        tpu.wait_dma2 semaphore(%dma_wait3A_87 : memref<!tpu.dma_semaphore, #tpu.memory_space<semaphore_mem>>) src(%dma_wait3A_94 : memref<64x1024xf32, #tpu.memory_space<vmem>>) dst(%dma_wait3A_90 : memref<64x1024xf32, #tpu.memory_space<any>>)
      } else {
      }
      %gt3A_46 = arith.constant 64 : i32
      %gt3A_47 = arith.cmpi sgt, %get3A_40, %gt3A_46 : i32
      %convert_element_type3A_48 = arith.extui %gt3A_47 : i1 to i32
      %cond3A_49 = arith.constant 0 : i32
      %cond3A_50 = arith.cmpi ne, %convert_element_type3A_48, %cond3A_49 : i32
      scf.if %cond3A_50 {
        %dma_wait3A = arith.constant 0 : i32
        %dma_wait3A_84 = arith.constant 0 : i32
        %dma_wait3A_85 = arith.constant 1 : i32
        %dma_wait3A_86 = tpu.memref_slice %arg11[%dma_wait3A_84, %dma_wait3A_85] : memref<2x4x!tpu.dma_semaphore, #tpu.memory_space<semaphore_mem>> -> memref<1x1x!tpu.dma_semaphore, #tpu.memory_space<semaphore_mem>>
        %dma_wait3A_87 = tpu.memref_squeeze %dma_wait3A_86 : memref<1x1x!tpu.dma_semaphore, #tpu.memory_space<semaphore_mem>> -> memref<!tpu.dma_semaphore, #tpu.memory_space<semaphore_mem>>
        %dma_wait3A_88 = arith.constant 15936 : i32
        %dma_wait3A_89 = arith.constant 0 : i32
        %dma_wait3A_90 = tpu.memref_slice %arg7[%dma_wait3A_88, %dma_wait3A_89] : memref<16384x1024xf32, #tpu.memory_space<any>> -> memref<64x1024xf32, #tpu.memory_space<any>>
        %dma_wait3A_91 = arith.constant 64 : i32
        %dma_wait3A_92 = arith.constant 0 : i32
        %dma_wait3A_93 = tpu.memref_slice %arg9[%dma_wait3A, %dma_wait3A_91, %dma_wait3A_92] : memref<2x256x1024xf32, #tpu.memory_space<vmem>> -> memref<1x64x1024xf32, #tpu.memory_space<vmem>>
        %dma_wait3A_94 = tpu.memref_squeeze %dma_wait3A_93 : memref<1x64x1024xf32, #tpu.memory_space<vmem>> -> memref<64x1024xf32, #tpu.memory_space<vmem>>
        tpu.wait_dma2 semaphore(%dma_wait3A_87 : memref<!tpu.dma_semaphore, #tpu.memory_space<semaphore_mem>>) src(%dma_wait3A_94 : memref<64x1024xf32, #tpu.memory_space<vmem>>) dst(%dma_wait3A_90 : memref<64x1024xf32, #tpu.memory_space<any>>)
      } else {
      }
      %gt3A_51 = arith.constant 128 : i32
      %gt3A_52 = arith.cmpi sgt, %get3A_40, %gt3A_51 : i32
      %convert_element_type3A_53 = arith.extui %gt3A_52 : i1 to i32
      %cond3A_54 = arith.constant 0 : i32
      %cond3A_55 = arith.cmpi ne, %convert_element_type3A_53, %cond3A_54 : i32
      scf.if %cond3A_55 {
        %dma_wait3A = arith.constant 0 : i32
        %dma_wait3A_84 = arith.constant 0 : i32
        %dma_wait3A_85 = arith.constant 2 : i32
        %dma_wait3A_86 = tpu.memref_slice %arg11[%dma_wait3A_84, %dma_wait3A_85] : memref<2x4x!tpu.dma_semaphore, #tpu.memory_space<semaphore_mem>> -> memref<1x1x!tpu.dma_semaphore, #tpu.memory_space<semaphore_mem>>
        %dma_wait3A_87 = tpu.memref_squeeze %dma_wait3A_86 : memref<1x1x!tpu.dma_semaphore, #tpu.memory_space<semaphore_mem>> -> memref<!tpu.dma_semaphore, #tpu.memory_space<semaphore_mem>>
        %dma_wait3A_88 = arith.constant 16000 : i32
        %dma_wait3A_89 = arith.constant 0 : i32
        %dma_wait3A_90 = tpu.memref_slice %arg7[%dma_wait3A_88, %dma_wait3A_89] : memref<16384x1024xf32, #tpu.memory_space<any>> -> memref<64x1024xf32, #tpu.memory_space<any>>
        %dma_wait3A_91 = arith.constant 128 : i32
        %dma_wait3A_92 = arith.constant 0 : i32
        %dma_wait3A_93 = tpu.memref_slice %arg9[%dma_wait3A, %dma_wait3A_91, %dma_wait3A_92] : memref<2x256x1024xf32, #tpu.memory_space<vmem>> -> memref<1x64x1024xf32, #tpu.memory_space<vmem>>
        %dma_wait3A_94 = tpu.memref_squeeze %dma_wait3A_93 : memref<1x64x1024xf32, #tpu.memory_space<vmem>> -> memref<64x1024xf32, #tpu.memory_space<vmem>>
        tpu.wait_dma2 semaphore(%dma_wait3A_87 : memref<!tpu.dma_semaphore, #tpu.memory_space<semaphore_mem>>) src(%dma_wait3A_94 : memref<64x1024xf32, #tpu.memory_space<vmem>>) dst(%dma_wait3A_90 : memref<64x1024xf32, #tpu.memory_space<any>>)
      } else {
      }
      %gt3A_56 = arith.constant 192 : i32
      %gt3A_57 = arith.cmpi sgt, %get3A_40, %gt3A_56 : i32
      %convert_element_type3A_58 = arith.extui %gt3A_57 : i1 to i32
      %cond3A_59 = arith.constant 0 : i32
      %cond3A_60 = arith.cmpi ne, %convert_element_type3A_58, %cond3A_59 : i32
      scf.if %cond3A_60 {
        %dma_wait3A = arith.constant 0 : i32
        %dma_wait3A_84 = arith.constant 0 : i32
        %dma_wait3A_85 = arith.constant 3 : i32
        %dma_wait3A_86 = tpu.memref_slice %arg11[%dma_wait3A_84, %dma_wait3A_85] : memref<2x4x!tpu.dma_semaphore, #tpu.memory_space<semaphore_mem>> -> memref<1x1x!tpu.dma_semaphore, #tpu.memory_space<semaphore_mem>>
        %dma_wait3A_87 = tpu.memref_squeeze %dma_wait3A_86 : memref<1x1x!tpu.dma_semaphore, #tpu.memory_space<semaphore_mem>> -> memref<!tpu.dma_semaphore, #tpu.memory_space<semaphore_mem>>
        %dma_wait3A_88 = arith.constant 16064 : i32
        %dma_wait3A_89 = arith.constant 0 : i32
        %dma_wait3A_90 = tpu.memref_slice %arg7[%dma_wait3A_88, %dma_wait3A_89] : memref<16384x1024xf32, #tpu.memory_space<any>> -> memref<64x1024xf32, #tpu.memory_space<any>>
        %dma_wait3A_91 = arith.constant 192 : i32
        %dma_wait3A_92 = arith.constant 0 : i32
        %dma_wait3A_93 = tpu.memref_slice %arg9[%dma_wait3A, %dma_wait3A_91, %dma_wait3A_92] : memref<2x256x1024xf32, #tpu.memory_space<vmem>> -> memref<1x64x1024xf32, #tpu.memory_space<vmem>>
        %dma_wait3A_94 = tpu.memref_squeeze %dma_wait3A_93 : memref<1x64x1024xf32, #tpu.memory_space<vmem>> -> memref<64x1024xf32, #tpu.memory_space<vmem>>
        tpu.wait_dma2 semaphore(%dma_wait3A_87 : memref<!tpu.dma_semaphore, #tpu.memory_space<semaphore_mem>>) src(%dma_wait3A_94 : memref<64x1024xf32, #tpu.memory_space<vmem>>) dst(%dma_wait3A_90 : memref<64x1024xf32, #tpu.memory_space<any>>)
      } else {
      }
      %get3A_61 = arith.constant 0 : index
      %get3A_62 = arith.constant 63 : index
      %get3A_63 = memref.load %arg1[%get3A_61, %get3A_62] : memref<1x64xi32, #tpu.memory_space<smem>>
      %gt3A_64 = arith.constant 0 : i32
      %gt3A_65 = arith.cmpi sgt, %get3A_63, %gt3A_64 : i32
      %convert_element_type3A_66 = arith.extui %gt3A_65 : i1 to i32
      %cond3A_67 = arith.constant 0 : i32
      %cond3A_68 = arith.cmpi ne, %convert_element_type3A_66, %cond3A_67 : i32
      scf.if %cond3A_68 {
        %dma_wait3A = arith.constant 1 : i32
        %dma_wait3A_84 = arith.constant 1 : i32
        %dma_wait3A_85 = arith.constant 0 : i32
        %dma_wait3A_86 = tpu.memref_slice %arg11[%dma_wait3A_84, %dma_wait3A_85] : memref<2x4x!tpu.dma_semaphore, #tpu.memory_space<semaphore_mem>> -> memref<1x1x!tpu.dma_semaphore, #tpu.memory_space<semaphore_mem>>
        %dma_wait3A_87 = tpu.memref_squeeze %dma_wait3A_86 : memref<1x1x!tpu.dma_semaphore, #tpu.memory_space<semaphore_mem>> -> memref<!tpu.dma_semaphore, #tpu.memory_space<semaphore_mem>>
        %dma_wait3A_88 = arith.constant 16128 : i32
        %dma_wait3A_89 = arith.constant 0 : i32
        %dma_wait3A_90 = tpu.memref_slice %arg7[%dma_wait3A_88, %dma_wait3A_89] : memref<16384x1024xf32, #tpu.memory_space<any>> -> memref<64x1024xf32, #tpu.memory_space<any>>
        %dma_wait3A_91 = arith.constant 0 : i32
        %dma_wait3A_92 = arith.constant 0 : i32
        %dma_wait3A_93 = tpu.memref_slice %arg9[%dma_wait3A, %dma_wait3A_91, %dma_wait3A_92] : memref<2x256x1024xf32, #tpu.memory_space<vmem>> -> memref<1x64x1024xf32, #tpu.memory_space<vmem>>
        %dma_wait3A_94 = tpu.memref_squeeze %dma_wait3A_93 : memref<1x64x1024xf32, #tpu.memory_space<vmem>> -> memref<64x1024xf32, #tpu.memory_space<vmem>>
        tpu.wait_dma2 semaphore(%dma_wait3A_87 : memref<!tpu.dma_semaphore, #tpu.memory_space<semaphore_mem>>) src(%dma_wait3A_94 : memref<64x1024xf32, #tpu.memory_space<vmem>>) dst(%dma_wait3A_90 : memref<64x1024xf32, #tpu.memory_space<any>>)
      } else {
      }
      %gt3A_69 = arith.constant 64 : i32
      %gt3A_70 = arith.cmpi sgt, %get3A_63, %gt3A_69 : i32
      %convert_element_type3A_71 = arith.extui %gt3A_70 : i1 to i32
      %cond3A_72 = arith.constant 0 : i32
      %cond3A_73 = arith.cmpi ne, %convert_element_type3A_71, %cond3A_72 : i32
      scf.if %cond3A_73 {
        %dma_wait3A = arith.constant 1 : i32
        %dma_wait3A_84 = arith.constant 1 : i32
        %dma_wait3A_85 = arith.constant 1 : i32
        %dma_wait3A_86 = tpu.memref_slice %arg11[%dma_wait3A_84, %dma_wait3A_85] : memref<2x4x!tpu.dma_semaphore, #tpu.memory_space<semaphore_mem>> -> memref<1x1x!tpu.dma_semaphore, #tpu.memory_space<semaphore_mem>>
        %dma_wait3A_87 = tpu.memref_squeeze %dma_wait3A_86 : memref<1x1x!tpu.dma_semaphore, #tpu.memory_space<semaphore_mem>> -> memref<!tpu.dma_semaphore, #tpu.memory_space<semaphore_mem>>
        %dma_wait3A_88 = arith.constant 16192 : i32
        %dma_wait3A_89 = arith.constant 0 : i32
        %dma_wait3A_90 = tpu.memref_slice %arg7[%dma_wait3A_88, %dma_wait3A_89] : memref<16384x1024xf32, #tpu.memory_space<any>> -> memref<64x1024xf32, #tpu.memory_space<any>>
        %dma_wait3A_91 = arith.constant 64 : i32
        %dma_wait3A_92 = arith.constant 0 : i32
        %dma_wait3A_93 = tpu.memref_slice %arg9[%dma_wait3A, %dma_wait3A_91, %dma_wait3A_92] : memref<2x256x1024xf32, #tpu.memory_space<vmem>> -> memref<1x64x1024xf32, #tpu.memory_space<vmem>>
        %dma_wait3A_94 = tpu.memref_squeeze %dma_wait3A_93 : memref<1x64x1024xf32, #tpu.memory_space<vmem>> -> memref<64x1024xf32, #tpu.memory_space<vmem>>
        tpu.wait_dma2 semaphore(%dma_wait3A_87 : memref<!tpu.dma_semaphore, #tpu.memory_space<semaphore_mem>>) src(%dma_wait3A_94 : memref<64x1024xf32, #tpu.memory_space<vmem>>) dst(%dma_wait3A_90 : memref<64x1024xf32, #tpu.memory_space<any>>)
      } else {
      }
      %gt3A_74 = arith.constant 128 : i32
      %gt3A_75 = arith.cmpi sgt, %get3A_63, %gt3A_74 : i32
      %convert_element_type3A_76 = arith.extui %gt3A_75 : i1 to i32
      %cond3A_77 = arith.constant 0 : i32
      %cond3A_78 = arith.cmpi ne, %convert_element_type3A_76, %cond3A_77 : i32
      scf.if %cond3A_78 {
        %dma_wait3A = arith.constant 1 : i32
        %dma_wait3A_84 = arith.constant 1 : i32
        %dma_wait3A_85 = arith.constant 2 : i32
        %dma_wait3A_86 = tpu.memref_slice %arg11[%dma_wait3A_84, %dma_wait3A_85] : memref<2x4x!tpu.dma_semaphore, #tpu.memory_space<semaphore_mem>> -> memref<1x1x!tpu.dma_semaphore, #tpu.memory_space<semaphore_mem>>
        %dma_wait3A_87 = tpu.memref_squeeze %dma_wait3A_86 : memref<1x1x!tpu.dma_semaphore, #tpu.memory_space<semaphore_mem>> -> memref<!tpu.dma_semaphore, #tpu.memory_space<semaphore_mem>>
        %dma_wait3A_88 = arith.constant 16256 : i32
        %dma_wait3A_89 = arith.constant 0 : i32
        %dma_wait3A_90 = tpu.memref_slice %arg7[%dma_wait3A_88, %dma_wait3A_89] : memref<16384x1024xf32, #tpu.memory_space<any>> -> memref<64x1024xf32, #tpu.memory_space<any>>
        %dma_wait3A_91 = arith.constant 128 : i32
        %dma_wait3A_92 = arith.constant 0 : i32
        %dma_wait3A_93 = tpu.memref_slice %arg9[%dma_wait3A, %dma_wait3A_91, %dma_wait3A_92] : memref<2x256x1024xf32, #tpu.memory_space<vmem>> -> memref<1x64x1024xf32, #tpu.memory_space<vmem>>
        %dma_wait3A_94 = tpu.memref_squeeze %dma_wait3A_93 : memref<1x64x1024xf32, #tpu.memory_space<vmem>> -> memref<64x1024xf32, #tpu.memory_space<vmem>>
        tpu.wait_dma2 semaphore(%dma_wait3A_87 : memref<!tpu.dma_semaphore, #tpu.memory_space<semaphore_mem>>) src(%dma_wait3A_94 : memref<64x1024xf32, #tpu.memory_space<vmem>>) dst(%dma_wait3A_90 : memref<64x1024xf32, #tpu.memory_space<any>>)
      } else {
      }
      %gt3A_79 = arith.constant 192 : i32
      %gt3A_80 = arith.cmpi sgt, %get3A_63, %gt3A_79 : i32
      %convert_element_type3A_81 = arith.extui %gt3A_80 : i1 to i32
      %cond3A_82 = arith.constant 0 : i32
      %cond3A_83 = arith.cmpi ne, %convert_element_type3A_81, %cond3A_82 : i32
      scf.if %cond3A_83 {
        %dma_wait3A = arith.constant 1 : i32
        %dma_wait3A_84 = arith.constant 1 : i32
        %dma_wait3A_85 = arith.constant 3 : i32
        %dma_wait3A_86 = tpu.memref_slice %arg11[%dma_wait3A_84, %dma_wait3A_85] : memref<2x4x!tpu.dma_semaphore, #tpu.memory_space<semaphore_mem>> -> memref<1x1x!tpu.dma_semaphore, #tpu.memory_space<semaphore_mem>>
        %dma_wait3A_87 = tpu.memref_squeeze %dma_wait3A_86 : memref<1x1x!tpu.dma_semaphore, #tpu.memory_space<semaphore_mem>> -> memref<!tpu.dma_semaphore, #tpu.memory_space<semaphore_mem>>
        %dma_wait3A_88 = arith.constant 16320 : i32
        %dma_wait3A_89 = arith.constant 0 : i32
        %dma_wait3A_90 = tpu.memref_slice %arg7[%dma_wait3A_88, %dma_wait3A_89] : memref<16384x1024xf32, #tpu.memory_space<any>> -> memref<64x1024xf32, #tpu.memory_space<any>>
        %dma_wait3A_91 = arith.constant 192 : i32
        %dma_wait3A_92 = arith.constant 0 : i32
        %dma_wait3A_93 = tpu.memref_slice %arg9[%dma_wait3A, %dma_wait3A_91, %dma_wait3A_92] : memref<2x256x1024xf32, #tpu.memory_space<vmem>> -> memref<1x64x1024xf32, #tpu.memory_space<vmem>>
        %dma_wait3A_94 = tpu.memref_squeeze %dma_wait3A_93 : memref<1x64x1024xf32, #tpu.memory_space<vmem>> -> memref<64x1024xf32, #tpu.memory_space<vmem>>
        tpu.wait_dma2 semaphore(%dma_wait3A_87 : memref<!tpu.dma_semaphore, #tpu.memory_space<semaphore_mem>>) src(%dma_wait3A_94 : memref<64x1024xf32, #tpu.memory_space<vmem>>) dst(%dma_wait3A_90 : memref<64x1024xf32, #tpu.memory_space<any>>)
      } else {
      }
    } else {
    }
    return
  }
  func.func @transform_0(%arg0: i32) -> (i32, i32) {
    %c0_i32 = arith.constant 0 : i32
    %c0_i32_0 = arith.constant 0 : i32
    %c0_i32_1 = arith.constant 0 : i32
    return %c0_i32, %c0_i32_0 : i32, i32
  }
  func.func @transform_2(%arg0: i32) -> (i32, i32, i32) {
    %c0_i32 = arith.constant 0 : i32
    %c0_i32_0 = arith.constant 0 : i32
    %c0_i32_1 = arith.constant 0 : i32
    return %arg0, %c0_i32, %c0_i32_0 : i32, i32, i32
  }
  func.func @transform_3(%arg0: i32) -> (i32, i32) {
    %c0_i32 = arith.constant 0 : i32
    %c0_i32_0 = arith.constant 0 : i32
    %c0_i32_1 = arith.constant 0 : i32
    return %c0_i32, %c0_i32_0 : i32, i32
  }
  func.func @transform_4(%arg0: i32) -> (i32, i32, i32) {
    %c0_i32 = arith.constant 0 : i32
    %c0_i32_0 = arith.constant 0 : i32
    %c0_i32_1 = arith.constant 0 : i32
    return %arg0, %c0_i32, %c0_i32_0 : i32, i32, i32
  }
  func.func @transform_5(%arg0: i32) -> (i32, i32) {
    %c0_i32 = arith.constant 0 : i32
    %c0_i32_0 = arith.constant 0 : i32
    %c0_i32_1 = arith.constant 0 : i32
    return %c0_i32, %c0_i32_0 : i32, i32
  }
}

</mosaic_0001>

<sc_bundles>
// kernel: kernel.10.cloned.1.call-start
scs
__scs_entry_jumppad:
0x0: {  	(pc) =	sbr.rel $0x88, $3  }
0x1: {  	(tag) =	ssettag $0x0;
	lr =	simm.s32 $0x1  }
0x2: {  	[smem:$0x3F9A] =	sst lr;
	_ =	strace $0xD0000000  }
0x3: {  	_ = 	snop  }
0x4: {  	_ = 	snop  }
0x5: {  	_ = 	snop  }
0x6: {  	_ = 	snop  }
0x7: {  	_ = 	snop  }
__scs_overlays_trampoline_lowered:
0x8: {  	[smem:$0x3FA9] =	sst s0  }
0x9: {  	[smem:$0x3FAA] =	sst s1  }
0xa: {  	[smem:$0x3FAB] =	sst s2  }
0xb: {  	[smem:$0x3FAC] =	sst s3  }
0xc: {  	[smem:$0x3FAD] =	sst s4  }
0xd: {  	[smem:$0x3FAE] =	sst s5  }
0xe: {  	[smem:$0x3FAF] =	sst s6  }
0xf: {  	[smem:$0x3FB0] =	sst s7  }
0x10: {  	[smem:$0x3FB1] =	sst s8  }
0x11: {  	[smem:$0x3FB2] =	sst s9;
	s0 =	simm.s32 @!p0 $0x0  }
0x12: {  	s1 =	sld [smem:$0x3F98];
	s0 =	simm.s32 @p0 $0x1  }
0x13: {  	[smem:$0x3FB3] =	sst s0;
	s0 =	simm.s32 @!p1 $0x0  }
0x14: {  	s2 =	sld [smem:$0x3F97];
	s0 =	simm.s32 @p1 $0x1  }
0x15: {  	[smem:$0x3FB4] =	sst s0;
	s0 =	simm.s32 @!p2 $0x0  }
0x16: {  	s3 =	sld [smem:$0x3FDB];
	s0 =	simm.s32 @p2 $0x1  }
0x17: {  	s4 =	simm.s32 $0x1BF5;
	[smem:$0x3FB6] =	sst s0  }
0x18: {  	s0 =	sld [smem:$0x3F99];
	_ =	swait.ge [sflag:s4], $0x0  }
0x19: {  	s7 =	sld [smem:$0x3F9A]  }
0x1a: {  	s8 =	sadd.s32 $0xFFFFE003, lr  }
0x1b: {  	s9 =	sadd.s32 $0xFFFFFEF7, lr;
	s5 =	simm.s32 $0xFFFFFFFF;
	p2 =	slt.u32 s8, $0xFFFFF086  }
0x1c: {  	p1 =	slt.u32 s9, $0xF7A;
	s5 =	simm.s32 @!p2 $0x0  }
0x1d: {  	s5 =	simm.s32 @p1 $0x1;
	p0 =	seq.s32 s7, s2  }
0x1e: {  	s7 =	smul.u32 @!p0 $0xF7A, s2;
	p2 =	seq.s32 @!p0 s5, $0x0  }
0x1f: {  	s9 =	smul.u32 $0xF7A, s1;
	s8 =	simm.s32 @!p0 $0x1BF5;
	p2 =	por !p2, p0  }
0x20: {  	[sflag:s8] =	ssyncset.s32 @!p0 $0xFFFFF086;
	s6 =	sadd.s32 @!p0 s3, s7;
	s7 =	simm.s32 @!p0 $0x108  }
0x21: {  	s3 =	sadd.s32 s3, s9;
	s6 =	sadd.s32 @!p0 $0x88, s6;
	s7 =	simm.s32 @p2 $0x1082  }
0x22: {  	[simem:s7], [sflag:s8] =	dma.local @!p0 [hbm:s6], $0xF7A  }
0x23: {  	s9 =	sor.u32 $0xD0000000, s2;
	s6 =	simm.s32 $0x108;
	_ =	swait.ge @!p0 [sflag:s8], $0x0  }
0x24: {  	s3 =	sadd.s32 $0x88, s3;
	s6 =	simm.s32 @!p1 $0x1082;
	[sflag:s4] =	ssyncset.s32 $0xFFFFF086  }
0x25: {  	[simem:s6], [sflag:s4] =	dma.local [hbm:s3], $0xF7A  }
0x26: {  	[smem:$0x3F9A] =	sst s1;
	(tag) =	ssettag s2;
	_ =	strace s9  }
0x27: {  	s1 =	sld [smem:$0x3FAA]  }
0x28: {  	s2 =	sld [smem:$0x3FAB]  }
0x29: {  	s4 =	sld [smem:$0x3FAD]  }
0x2a: {  	p0 =	seq.s32 s5, $0x0;
	s5 =	sld [smem:$0x3FAE]  }
0x2b: {  	s6 =	sld [smem:$0x3FAF]  }
0x2c: {  	s7 =	sld [smem:$0x3FB0]  }
0x2d: {  	s3 =	simm.s32 $0x108;
	s8 =	sld [smem:$0x3FB1]  }
0x2e: {  	s3 =	simm.s32 @!p0 $0x1082;
	s9 =	sld [smem:$0x3FB2]  }
0x2f: {  	lr =	sadd.s32 s0, s3;
	s0 =	sld [smem:$0x3FA9]  }
0x30: {  	s3 =	sld [smem:$0x3FAC]  }
0x31: {  	[smem:$0x3FB5] =	sst s10  }
0x32: {  	s10 =	sld [smem:$0x3FB3];
	_ =	sdelay $0x3  }
0x33: {  	p0 =	seq.s32 s10, $0x1;
	s10 =	sld [smem:$0x3FB5];
	_ =	sdelay $0x3  }
0x34: {  	[smem:$0x3FB5] =	sst s10  }
0x35: {  	s10 =	sld [smem:$0x3FB4];
	_ =	sdelay $0x3  }
0x36: {  	p1 =	seq.s32 s10, $0x1;
	s10 =	sld [smem:$0x3FB5];
	_ =	sdelay $0x3  }
0x37: {  	[smem:$0x3FB5] =	sst s10  }
0x38: {  	s10 =	sld [smem:$0x3FB6]  }
0x39: {  	_ = 	snop;
	(pc) =	sbr.ind lr, $3  }
0x3a: {  	_ = 	snop  }
0x3b: {  	_ = 	snop  }
0x3c: {  	p2 =	seq.s32 s10, $0x1;
	s10 =	sld [smem:$0x3FB5]  }
0x3d: {  	_ =	shalt  }
0x3e: {  	_ =	shalt  }
0x3f: {  	_ =	shalt  }
0x40: {  	_ =	shalt  }
0x41: {  	_ =	shalt  }
0x42: {  	_ =	shalt  }
0x43: {  	_ =	shalt  }
0x44: {  	_ =	shalt  }
0x45: {  	_ =	shalt  }
0x46: {  	_ =	shalt  }
0x47: {  	_ =	shalt  }
0x48: {  	_ =	shalt  }
0x49: {  	_ =	shalt  }
0x4a: {  	_ =	shalt  }
0x4b: {  	_ =	shalt  }
0x4c: {  	_ =	shalt  }
0x4d: {  	_ =	shalt  }
0x4e: {  	_ =	shalt  }
0x4f: {  	_ =	shalt  }
0x50: {  	_ =	shalt  }
0x51: {  	_ =	shalt  }
0x52: {  	_ =	shalt  }
0x53: {  	_ =	shalt  }
0x54: {  	_ =	shalt  }
0x55: {  	_ =	shalt  }
0x56: {  	_ =	shalt  }
0x57: {  	_ =	shalt  }
0x58: {  	_ =	shalt  }
0x59: {  	_ =	shalt  }
0x5a: {  	_ =	shalt  }
0x5b: {  	_ =	shalt  }
0x5c: {  	_ =	shalt  }
0x5d: {  	_ =	shalt  }
0x5e: {  	_ =	shalt  }
0x5f: {  	_ =	shalt  }
0x60: {  	_ =	shalt  }
0x61: {  	_ =	shalt  }
0x62: {  	_ =	shalt  }
0x63: {  	_ =	shalt  }
0x64: {  	_ =	shalt  }
0x65: {  	_ =	shalt  }
0x66: {  	_ =	shalt  }
0x67: {  	_ =	shalt  }
0x68: {  	_ =	shalt  }
0x69: {  	_ =	shalt  }
0x6a: {  	_ =	shalt  }
0x6b: {  	_ =	shalt  }
0x6c: {  	_ =	shalt  }
0x6d: {  	_ =	shalt  }
0x6e: {  	_ =	shalt  }
0x6f: {  	_ =	shalt  }
0x70: {  	_ =	shalt  }
0x71: {  	_ =	shalt  }
0x72: {  	_ =	shalt  }
0x73: {  	_ =	shalt  }
0x74: {  	_ =	shalt  }
0x75: {  	_ =	shalt  }
0x76: {  	_ =	shalt  }
0x77: {  	_ =	shalt  }
0x78: {  	_ =	shalt  }
0x79: {  	_ =	shalt  }
0x7a: {  	_ =	shalt  }
0x7b: {  	_ =	shalt  }
0x7c: {  	_ =	shalt  }
0x7d: {  	_ =	shalt  }
0x7e: {  	_ =	shalt  }
0x7f: {  	_ =	shalt  }
0x80: {  	_ =	shalt  }
0x81: {  	_ =	shalt  }
0x82: {  	_ =	shalt  }
0x83: {  	_ =	shalt  }
0x84: {  	_ =	shalt  }
0x85: {  	_ =	shalt  }
0x86: {  	_ =	shalt  }
0x87: {  	_ =	shalt  }
.Lfunc_end0:
.L_simem_size_0:
called_computation.1_lowered:
.L_overlay_start_0:
0x88: {  	s2 =	sld [smem:$0x3FD9]  }
0x89: {  	s3 =	sld [smem:$0x3FFE];
	_ =	sdelay $0x1  }
0x8a: {  	s1 =	srdreg.scid  }
0x8b: {  	s0 =	sand.u32 $0x1, s1  }
0x8c: {  	s17 =	sshll.u32 s0, $0xA;
	s2 =	sadd.s32 s3, s2  }
0x8d: {  	s2 =	sadd.s32 s2, s17  }
0x8e: {  	[smem:$0x3FC1] =	sst s2  }
0x8f: {  	_ = 	snop  }
0x90: {  	s2 =	sld [smem:$0x3FD0];
	(tm) =	ssettm $0x1  }
0x91: {  	s18 =	sld [smem:$0x3FFB];
	_ =	sdelay $0x3  }
0x92: {  	_ =	strace s18  }
0x93: {  	s3 =	sld [smem:$0x3FFC];
	_ =	sdelay $0x3  }
0x94: {  	_ =	strace s3  }
0x95: {  	s3 =	sld [smem:$0x3FFD];
	_ =	sdelay $0x3  }
0x96: {  	_ =	strace s3  }
0x97: {  	_ =	strace $0x8FFFFFFF  }
0x98: {  	s19 =	sld [smem:$0x3FDB];
	_ =	sdelay $0x1  }
0x99: {  	s4 =	simm.s32 $_scs_section_size  }
0x9a: {  	s5 =	simm.s32 $_size__tile_overlayer_lowered;
	s6 =	simm.s32 $_tile_overlayer_lowered  }
0x9b: {  	s22 =	simm.s32 $0x1BFF;
	s21 =	sshll.u32 s6, $0x1;
	s3 =	sadd.s32 s4, s19  }
0x9c: {  	s7 =	simm.s32 $0x0;
	s20 =	sshll.u32 s5, $0x1;
	s5 =	sadd.s32 s21, s3  }
0x9d: {  	[timem:s7], [sflag:s22] =	dma.local [hbm:s5], s20  }
0x9e: {  	_ =	swait.ge [sflag:s22], s20  }
0x9f: {  	s4 =	ssub.s32 $0x0, s20;
	[sflag:s22] =	ssyncset.done $0x0  }
0xa0: {  	[sflag:s22] =	ssyncadd.s32 s4;
	_ =	sdelay $0x1  }
0xa1: {  	s23 =	simm.s32 $0x1B8B  }
0xa2: {  	_ =	swait.ge [sflag:s23], $0x1  }
0xa3: {  	[sflag:s23] =	ssyncset.done $0x0  }
0xa4: {  	s25 =	simm.s32 $0x1B8E;
	s24 =	sld [smem:$0x3FFE];
	[sflag:s23] =	ssyncadd.s32 $0xFFFFFFFF  }
0xa5: {  	s26 =	simm.s32 $execute0_lowered;
	[smem:$0x3FD2] =	sst s25  }
0xa6: {  	s5 =	sshll.u32 s26, $0x1;
	_ =	strace $0x80000049;
	[dreg:$0x1] =	wrdreg $0xFFFFFFFF  }
0xa7: {  	s28 =	simm.s32 $_size_execute0_lowered;
	s3 =	sadd.s32 s3, s5;
	[dreg:$0x0] =	wrdreg $0x0  }
0xa8: {  	s5 =	sshll.u32 s28, $0x1;
	[dreg:$0x2] =	wrdreg s3  }
0xa9: {  	[dreg:$0x3] =	wrdreg s5  }
0xaa: {  	[dreg:$0x4] =	wrdreg $0xC0  }
0xab: {  	_ =	task [dreg:s7], $0x5FFFF  }
0xac: {  	[dreg:$0x1] =	wrdreg $0xFFFFFFFF  }
0xad: {  	[dreg:$0x0] =	wrdreg $0x60  }
0xae: {  	[dreg:$0x2] =	wrdreg s24  }
0xaf: {  	[dreg:$0x3] =	wrdreg s2  }
0xb0: {  	[dreg:$0x4] =	wrdreg $0x9  }
0xb1: {  	_ =	task.clear_ibuf [dreg:s7], $0x5FFFF;
	_ =	strace $0x90000049  }
0xb2: {  	s29 =	simm.s32 $0x9;
	_ =	strace $0x8000004B  }
0xb3: {  	_ =	swait.ge [sflag:s29], $0x1  }
0xb4: {  	[sflag:s29] =	ssyncadd.s32 $0xFFFFFFFF  }
0xb5: {  	_ =	strace $0x9000004B  }
0xb6: {  	_ =	sfence  }
0xb7: {  	s30 =	sld [smem:$0x0];
	_ =	sdelay $0x2  }
0xb8: {  	s31 =	sshll.u32 s1, $0xD;
	s1 =	sshrl.u32 s1, $0x2  }
0xb9: {  	s3 =	sand.u32 $0x4000, s31;
	s1 =	sadd.s32 s1, s30  }
0xba: {  	s0 =	sor.u32 s3, s0;
	s1 =	sshll.u32 s1, $0x11  }
0xbb: {  	s0 =	sor.u32 s1, s0  }
0xbc: {  	s0 =	sadd.s32 $0x8F2B, s0  }
0xbd: {  	[sflag:s0] =	ssyncadd.remote.s32 $0x1  }
0xbe: {  	_ =	sfence.sel $0xFFFF  }
0xbf: {  	[dreg:$0x0] =	wrdreg $0xFFFFFFFF;
	(pc) =	sbr.abs _section_cstart, $3  }
0xc0: {  	[dreg:$0x1] =	wrdreg $0xFFFFFFFF  }
0xc1: {  	_ =	task.clear_ibuf [dreg:s7], $0x2FFFF;
	_ =	strace $0x9FFFFFFF  }
0xc2: {  	(tm) =	ssettm $0x7FFFFFFF  }
0xc3: {  	_ =	shalt  }
tec
execute0_lowered:
.L_overlay_start_1:
0x0: {  	(tag) =	ssettag $0x1  }
0x1: {  	s0 =	rddreg [dreg:$0x0]  }
0x2: {  	s1 =	rddreg [dreg:$0x1];
	s3 =	srdreg.scid  }
0x3: {  	s2 =	simm.s32 $0x0;
	s5 =	stileid.u32;
	s18 =	simm.s32 $0x1  }
0x4: {  	s20 =	simm.s32 $0x880;
	s21 =	simm.s32 $0x1080;
	s28 =	simm.s32 $0x4080  }
0x5: {  	s29 =	simm.s32 $0x4880;
	s30 =	simm.s32 $0x5080;
	s31 =	simm.s32 $0x5880  }
0x6: {  	s10 =	simm.s32 $0x7080;
	s11 =	simm.s32 $0x7880;
	s12 =	simm.s32 $0x8080  }
0x7: {  	s13 =	simm.s32 $0x8880;
	s14 =	simm.s32 $0x9080;
	s15 =	simm.s32 $0x9880  }
0x8: {  	s16 =	simm.s32 $0xA080;
	s17 =	simm.s32 $0xA880;
	s9 =	simm.s32 $0xB080  }
0x9: {  	s4 =	sand.u32 $0x1, s3;
	[smem:$0x7FF] =	sst s2;
	s22 =	sshll.u32 s5, $0x7  }
0xa: {  	s3 =	sadd.s32 $0x21B000, s0;
	s23 =	sshll.u32 s4, $0x6;
	s4 =	ssub.s32 $0x2, s4  }
0xb: {  	_ =	strace $0x8000004A;
	s5 =	sor.u32 s23, s22;
	s7 =	sshrl.u32 s4, $0x1  }
0xc: {  	s22 =	simm.s32 $0x1880;
	s23 =	simm.s32 $0x2080;
	s6 =	sshrl.u32 s5, $0x3  }
0xd: {  	s5 =	sshll.u32 s5, $0x7;
	s7 =	ssub.s32 s4, s7;
	s4 =	sadd.s32 $0x21B100, s0  }
0xe: {  	s6 =	sadd.s32 s6, s0;
	s8 =	sadd.s32 s5, s0;
	s1 =	sadd.s32 s1, s5  }
0xf: {  	s5 =	sadd.s32 $0x21B200, s0;
	s24 =	sadd.s32 $0x12C00, s6;
	[dreg:$0x4] =	wrdreg s1  }
0x10: {  	s7 =	smax.u32 s7, $0x1;
	s25 =	sadd.s32 $0x12E00, s6;
	[dreg:$0x3] =	wrdreg s24  }
0x11: {  	v2 =	vlaneseq.u32;
	s6 =	sadd.s32 $0x21B300, s0;
	s26 =	sadd.s32 $0x13000, s8;
	[dreg:$0x5] =	wrdreg s25  }
0x12: {  	vm0 =	vmmov $0xffff;
	v1 =	vshrl.u32 v2, $0x3;
	s8 =	simm.s32 $0x2;
	s0 =	simm.s32 $0x80;
	[dreg:$0x6] =	wrdreg s26  }
0x13: {  	v0 =	vand.u32 $0x7, v2;
	v2 =	vor.u32 $0x8, v2;
	v1 =	vmul.u32 $0x8, v1;
	s24 =	simm.s32 $0x2880;
	s25 =	simm.s32 $0x3080;
	s26 =	simm.s32 $0x3880  }
.LBB2_1:
0x14: {  	s19 =	rddreg [dreg:$0x3]  }
0x15: {  	[tilespmem:s2], [sflag:$0x2] =	stream.linear.gather [hbm4b:s19+s2], $0x40, $0x38;
	[tilespmem:$0x10080] =	vst v63  }
0x16: {  	_ =	swait.ge [sflag:s8], $0x40  }
0x17: {  	[sflag:s8] =	ssyncset.done $0x0  }
0x18: {  	[sflag:s8] =	ssyncadd.s32 $0xFFFFFFC0  }
0x19: {  	v3 =	vld [tilespmem:$0x0];
	_ =	sdelay $0x4  }
0x1a: {  	v4 =	vshll.u32 v3, $0x3  }
0x1b: {  	v3 =	vand.u32 $0x7, v3;
	v4 =	vand.u32 $0xFFFFFFC0, v4  }
0x1c: {  	v3 =	vor.u32 v3, v4  }
0x1d: {  	v4 =	vperm.xlane v3, v0;
	_ =	sdelay $0x1  }
0x1e: {  	v4 =	vadd.s32 v1, v4;
	_ =	sdelay $0x4  }
0x1f: {  	[tilespmem:s0], [sflag:$0x1] =	stream.indirect_vreg.gather [hbm4b:s3+s2], $0x80, v4, vm0, $0xb8;
	[tilespmem:$0x10080] =	vst v63  }
0x20: {  	v3 =	vperm.xlane v3, v2  }
0x21: {  	[tilespmem:s20], [sflag:$0x1] =	stream.indirect_vreg.gather [hbm4b:s4+s2], $0x80, v4, vm0, $0xb8;
	[tilespmem:$0x10080] =	vst v63  }
0x22: {  	v3 =	vadd.s32 v1, v3  }
0x23: {  	[tilespmem:s21], [sflag:$0x1] =	stream.indirect_vreg.gather [hbm4b:s5+s2], $0x80, v4, vm0, $0xb8;
	[tilespmem:$0x10080] =	vst v63  }
0x24: {  	_ = 	snop  }
0x25: {  	[tilespmem:s22], [sflag:$0x1] =	stream.indirect_vreg.gather [hbm4b:s6+s2], $0x80, v4, vm0, $0xb8;
	[tilespmem:$0x10080] =	vst v63  }
0x26: {  	_ = 	snop  }
0x27: {  	[tilespmem:s23], [sflag:$0x1] =	stream.indirect_vreg.gather [hbm4b:s3+s2], $0x80, v3, vm0, $0xb8;
	[tilespmem:$0x10080] =	vst v63  }
0x28: {  	_ = 	snop  }
0x29: {  	[tilespmem:s24], [sflag:$0x1] =	stream.indirect_vreg.gather [hbm4b:s4+s2], $0x80, v3, vm0, $0xb8;
	[tilespmem:$0x10080] =	vst v63  }
0x2a: {  	_ = 	snop  }
0x2b: {  	[tilespmem:s25], [sflag:$0x1] =	stream.indirect_vreg.gather [hbm4b:s5+s2], $0x80, v3, vm0, $0xb8;
	[tilespmem:$0x10080] =	vst v63  }
0x2c: {  	_ = 	snop  }
0x2d: {  	[tilespmem:s26], [sflag:$0x1] =	stream.indirect_vreg.gather [hbm4b:s6+s2], $0x80, v3, vm0, $0xb8;
	[tilespmem:$0x10080] =	vst v63  }
0x2e: {  	v3 =	vld [tilespmem:$0x10];
	_ =	sdelay $0x4  }
0x2f: {  	v57 =	vshll.u32 v3, $0x3  }
0x30: {  	v3 =	vand.u32 $0x7, v3;
	v4 =	vand.u32 $0xFFFFFFC0, v57  }
0x31: {  	v3 =	vor.u32 v3, v4  }
0x32: {  	v4 =	vperm.xlane v3, v0;
	_ =	sdelay $0x1  }
0x33: {  	v4 =	vadd.s32 v1, v4;
	_ =	sdelay $0x4  }
0x34: {  	[tilespmem:s28], [sflag:$0x1] =	stream.indirect_vreg.gather [hbm4b:s3+s2], $0x80, v4, vm0, $0xb8;
	[tilespmem:$0x10080] =	vst v63  }
0x35: {  	v3 =	vperm.xlane v3, v2  }
0x36: {  	[tilespmem:s29], [sflag:$0x1] =	stream.indirect_vreg.gather [hbm4b:s4+s2], $0x80, v4, vm0, $0xb8;
	[tilespmem:$0x10080] =	vst v63  }
0x37: {  	v3 =	vadd.s32 v1, v3  }
0x38: {  	[tilespmem:s30], [sflag:$0x1] =	stream.indirect_vreg.gather [hbm4b:s5+s2], $0x80, v4, vm0, $0xb8;
	[tilespmem:$0x10080] =	vst v63  }
0x39: {  	_ = 	snop  }
0x3a: {  	[tilespmem:s31], [sflag:$0x1] =	stream.indirect_vreg.gather [hbm4b:s6+s2], $0x80, v4, vm0, $0xb8;
	[tilespmem:$0x10080] =	vst v63  }
0x3b: {  	s1 =	simm.s32 $0x6080  }
0x3c: {  	[tilespmem:s1], [sflag:$0x1] =	stream.indirect_vreg.gather [hbm4b:s3+s2], $0x80, v3, vm0, $0xb8;
	[tilespmem:$0x10080] =	vst v63  }
0x3d: {  	s1 =	simm.s32 $0x6880  }
0x3e: {  	[tilespmem:s1], [sflag:$0x1] =	stream.indirect_vreg.gather [hbm4b:s4+s2], $0x80, v3, vm0, $0xb8;
	[tilespmem:$0x10080] =	vst v63  }
0x3f: {  	_ = 	snop  }
0x40: {  	[tilespmem:s10], [sflag:$0x1] =	stream.indirect_vreg.gather [hbm4b:s5+s2], $0x80, v3, vm0, $0xb8;
	[tilespmem:$0x10080] =	vst v63  }
0x41: {  	_ = 	snop  }
0x42: {  	[tilespmem:s11], [sflag:$0x1] =	stream.indirect_vreg.gather [hbm4b:s6+s2], $0x80, v3, vm0, $0xb8;
	[tilespmem:$0x10080] =	vst v63  }
0x43: {  	v3 =	vld [tilespmem:$0x20];
	_ =	sdelay $0x4  }
0x44: {  	v58 =	vshll.u32 v3, $0x3  }
0x45: {  	v3 =	vand.u32 $0x7, v3;
	v4 =	vand.u32 $0xFFFFFFC0, v58  }
0x46: {  	v3 =	vor.u32 v3, v4  }
0x47: {  	v4 =	vperm.xlane v3, v0;
	_ =	sdelay $0x1  }
0x48: {  	v4 =	vadd.s32 v1, v4;
	_ =	sdelay $0x4  }
0x49: {  	[tilespmem:s12], [sflag:$0x1] =	stream.indirect_vreg.gather [hbm4b:s3+s2], $0x80, v4, vm0, $0xb8;
	[tilespmem:$0x10080] =	vst v63  }
0x4a: {  	v3 =	vperm.xlane v3, v2  }
0x4b: {  	[tilespmem:s13], [sflag:$0x1] =	stream.indirect_vreg.gather [hbm4b:s4+s2], $0x80, v4, vm0, $0xb8;
	[tilespmem:$0x10080] =	vst v63  }
0x4c: {  	v3 =	vadd.s32 v1, v3  }
0x4d: {  	[tilespmem:s14], [sflag:$0x1] =	stream.indirect_vreg.gather [hbm4b:s5+s2], $0x80, v4, vm0, $0xb8;
	[tilespmem:$0x10080] =	vst v63  }
0x4e: {  	_ = 	snop  }
0x4f: {  	[tilespmem:s15], [sflag:$0x1] =	stream.indirect_vreg.gather [hbm4b:s6+s2], $0x80, v4, vm0, $0xb8;
	[tilespmem:$0x10080] =	vst v63  }
0x50: {  	_ = 	snop  }
0x51: {  	[tilespmem:s16], [sflag:$0x1] =	stream.indirect_vreg.gather [hbm4b:s3+s2], $0x80, v3, vm0, $0xb8;
	[tilespmem:$0x10080] =	vst v63  }
0x52: {  	_ = 	snop  }
0x53: {  	[tilespmem:s17], [sflag:$0x1] =	stream.indirect_vreg.gather [hbm4b:s4+s2], $0x80, v3, vm0, $0xb8;
	[tilespmem:$0x10080] =	vst v63  }
0x54: {  	_ = 	snop  }
0x55: {  	[tilespmem:s9], [sflag:$0x1] =	stream.indirect_vreg.gather [hbm4b:s5+s2], $0x80, v3, vm0, $0xb8;
	[tilespmem:$0x10080] =	vst v63  }
0x56: {  	s19 =	simm.s32 $0xB880  }
0x57: {  	[tilespmem:s19], [sflag:$0x1] =	stream.indirect_vreg.gather [hbm4b:s6+s2], $0x80, v3, vm0, $0xb8;
	[tilespmem:$0x10080] =	vst v63  }
0x58: {  	v3 =	vld [tilespmem:$0x30];
	_ =	sdelay $0x4  }
0x59: {  	v59 =	vshll.u32 v3, $0x3  }
0x5a: {  	v3 =	vand.u32 $0x7, v3;
	v4 =	vand.u32 $0xFFFFFFC0, v59  }
0x5b: {  	v3 =	vor.u32 v3, v4  }
0x5c: {  	v4 =	vperm.xlane v3, v0;
	_ =	sdelay $0x1  }
0x5d: {  	v4 =	vadd.s32 v1, v4;
	_ =	sdelay $0x3  }
0x5e: {  	s19 =	simm.s32 $0xC080  }
0x5f: {  	[tilespmem:s19], [sflag:$0x1] =	stream.indirect_vreg.gather [hbm4b:s3+s2], $0x80, v4, vm0, $0xb8;
	[tilespmem:$0x10080] =	vst v63  }
0x60: {  	v3 =	vperm.xlane v3, v2;
	s19 =	simm.s32 $0xC880  }
0x61: {  	[tilespmem:s19], [sflag:$0x1] =	stream.indirect_vreg.gather [hbm4b:s4+s2], $0x80, v4, vm0, $0xb8;
	[tilespmem:$0x10080] =	vst v63  }
0x62: {  	v3 =	vadd.s32 v1, v3;
	s19 =	simm.s32 $0xD080  }
0x63: {  	[tilespmem:s19], [sflag:$0x1] =	stream.indirect_vreg.gather [hbm4b:s5+s2], $0x80, v4, vm0, $0xb8;
	[tilespmem:$0x10080] =	vst v63  }
0x64: {  	s19 =	simm.s32 $0xD880  }
0x65: {  	[tilespmem:s19], [sflag:$0x1] =	stream.indirect_vreg.gather [hbm4b:s6+s2], $0x80, v4, vm0, $0xb8;
	[tilespmem:$0x10080] =	vst v63  }
0x66: {  	s19 =	simm.s32 $0xE080  }
0x67: {  	[tilespmem:s19], [sflag:$0x1] =	stream.indirect_vreg.gather [hbm4b:s3+s2], $0x80, v3, vm0, $0xb8;
	[tilespmem:$0x10080] =	vst v63  }
0x68: {  	s19 =	simm.s32 $0xE880  }
0x69: {  	[tilespmem:s19], [sflag:$0x1] =	stream.indirect_vreg.gather [hbm4b:s4+s2], $0x80, v3, vm0, $0xb8;
	[tilespmem:$0x10080] =	vst v63  }
0x6a: {  	s19 =	simm.s32 $0xF080  }
0x6b: {  	[tilespmem:s19], [sflag:$0x1] =	stream.indirect_vreg.gather [hbm4b:s5+s2], $0x80, v3, vm0, $0xb8;
	[tilespmem:$0x10080] =	vst v63  }
0x6c: {  	s19 =	simm.s32 $0xF880  }
0x6d: {  	[tilespmem:s19], [sflag:$0x1] =	stream.indirect_vreg.gather [hbm4b:s6+s2], $0x80, v3, vm0, $0xb8;
	[tilespmem:$0x10080] =	vst v63  }
0x6e: {  	_ =	swait.ge [sflag:s18], $0x10000  }
0x6f: {  	[sflag:s18] =	ssyncset.done $0x0  }
0x70: {  	s19 =	rddreg [dreg:$0x4];
	[sflag:s18] =	ssyncadd.s32 $0xFFFF0000  }
0x71: {  	[hbm4b:s19+s2] =	stream.linear.scatter [tilespmem:s0], [sflag:$0x2], $0x10000, $0x38;
	[tilespmem:$0x10080] =	vst v63  }
0x72: {  	_ =	swait.ge [sflag:s8], $0x10000  }
0x73: {  	[sflag:s8] =	ssyncset.done $0x0  }
0x74: {  	s19 =	rddreg [dreg:$0x5];
	[sflag:s8] =	ssyncadd.s32 $0xFFFF0000  }
0x75: {  	[tilespmem:s2], [sflag:$0x2] =	stream.linear.gather [hbm4b:s19+s2], $0x40, $0x38;
	[tilespmem:$0x10080] =	vst v63  }
0x76: {  	_ =	swait.ge [sflag:s8], $0x40  }
0x77: {  	[sflag:s8] =	ssyncset.done $0x0  }
0x78: {  	[sflag:s8] =	ssyncadd.s32 $0xFFFFFFC0  }
0x79: {  	v3 =	vld [tilespmem:$0x0];
	_ =	sdelay $0x4  }
0x7a: {  	v60 =	vshll.u32 v3, $0x3  }
0x7b: {  	v3 =	vand.u32 $0x7, v3;
	v4 =	vand.u32 $0xFFFFFFC0, v60  }
0x7c: {  	v3 =	vor.u32 v3, v4  }
0x7d: {  	v4 =	vperm.xlane v3, v0;
	_ =	sdelay $0x1  }
0x7e: {  	v4 =	vadd.s32 v1, v4;
	_ =	sdelay $0x4  }
0x7f: {  	[tilespmem:s0], [sflag:$0x1] =	stream.indirect_vreg.gather [hbm4b:s3+s2], $0x80, v4, vm0, $0xb8;
	[tilespmem:$0x10080] =	vst v63  }
0x80: {  	v3 =	vperm.xlane v3, v2  }
0x81: {  	[tilespmem:s20], [sflag:$0x1] =	stream.indirect_vreg.gather [hbm4b:s4+s2], $0x80, v4, vm0, $0xb8;
	[tilespmem:$0x10080] =	vst v63  }
0x82: {  	v3 =	vadd.s32 v1, v3  }
0x83: {  	[tilespmem:s21], [sflag:$0x1] =	stream.indirect_vreg.gather [hbm4b:s5+s2], $0x80, v4, vm0, $0xb8;
	[tilespmem:$0x10080] =	vst v63  }
0x84: {  	_ = 	snop  }
0x85: {  	[tilespmem:s22], [sflag:$0x1] =	stream.indirect_vreg.gather [hbm4b:s6+s2], $0x80, v4, vm0, $0xb8;
	[tilespmem:$0x10080] =	vst v63  }
0x86: {  	_ = 	snop  }
0x87: {  	[tilespmem:s23], [sflag:$0x1] =	stream.indirect_vreg.gather [hbm4b:s3+s2], $0x80, v3, vm0, $0xb8;
	[tilespmem:$0x10080] =	vst v63  }
0x88: {  	_ = 	snop  }
0x89: {  	[tilespmem:s24], [sflag:$0x1] =	stream.indirect_vreg.gather [hbm4b:s4+s2], $0x80, v3, vm0, $0xb8;
	[tilespmem:$0x10080] =	vst v63  }
0x8a: {  	_ = 	snop  }
0x8b: {  	[tilespmem:s25], [sflag:$0x1] =	stream.indirect_vreg.gather [hbm4b:s5+s2], $0x80, v3, vm0, $0xb8;
	[tilespmem:$0x10080] =	vst v63  }
0x8c: {  	_ = 	snop  }
0x8d: {  	[tilespmem:s26], [sflag:$0x1] =	stream.indirect_vreg.gather [hbm4b:s6+s2], $0x80, v3, vm0, $0xb8;
	[tilespmem:$0x10080] =	vst v63  }
0x8e: {  	v3 =	vld [tilespmem:$0x10];
	_ =	sdelay $0x4  }
0x8f: {  	v61 =	vshll.u32 v3, $0x3  }
0x90: {  	v3 =	vand.u32 $0x7, v3;
	v4 =	vand.u32 $0xFFFFFFC0, v61  }
0x91: {  	v3 =	vor.u32 v3, v4  }
0x92: {  	v4 =	vperm.xlane v3, v0;
	_ =	sdelay $0x1  }
0x93: {  	v4 =	vadd.s32 v1, v4;
	_ =	sdelay $0x4  }
0x94: {  	[tilespmem:s28], [sflag:$0x1] =	stream.indirect_vreg.gather [hbm4b:s3+s2], $0x80, v4, vm0, $0xb8;
	[tilespmem:$0x10080] =	vst v63  }
0x95: {  	v3 =	vperm.xlane v3, v2  }
0x96: {  	[tilespmem:s29], [sflag:$0x1] =	stream.indirect_vreg.gather [hbm4b:s4+s2], $0x80, v4, vm0, $0xb8;
	[tilespmem:$0x10080] =	vst v63  }
0x97: {  	v3 =	vadd.s32 v1, v3  }
0x98: {  	[tilespmem:s30], [sflag:$0x1] =	stream.indirect_vreg.gather [hbm4b:s5+s2], $0x80, v4, vm0, $0xb8;
	[tilespmem:$0x10080] =	vst v63  }
0x99: {  	_ = 	snop  }
0x9a: {  	[tilespmem:s31], [sflag:$0x1] =	stream.indirect_vreg.gather [hbm4b:s6+s2], $0x80, v4, vm0, $0xb8;
	[tilespmem:$0x10080] =	vst v63  }
0x9b: {  	s19 =	simm.s32 $0x6080  }
0x9c: {  	[tilespmem:s19], [sflag:$0x1] =	stream.indirect_vreg.gather [hbm4b:s3+s2], $0x80, v3, vm0, $0xb8;
	[tilespmem:$0x10080] =	vst v63  }
0x9d: {  	_ = 	snop  }
0x9e: {  	[tilespmem:s1], [sflag:$0x1] =	stream.indirect_vreg.gather [hbm4b:s4+s2], $0x80, v3, vm0, $0xb8;
	[tilespmem:$0x10080] =	vst v63  }
0x9f: {  	_ = 	snop  }
0xa0: {  	[tilespmem:s10], [sflag:$0x1] =	stream.indirect_vreg.gather [hbm4b:s5+s2], $0x80, v3, vm0, $0xb8;
	[tilespmem:$0x10080] =	vst v63  }
0xa1: {  	_ = 	snop  }
0xa2: {  	[tilespmem:s11], [sflag:$0x1] =	stream.indirect_vreg.gather [hbm4b:s6+s2], $0x80, v3, vm0, $0xb8;
	[tilespmem:$0x10080] =	vst v63  }
0xa3: {  	v3 =	vld [tilespmem:$0x20];
	_ =	sdelay $0x4  }
0xa4: {  	v62 =	vshll.u32 v3, $0x3  }
0xa5: {  	v3 =	vand.u32 $0x7, v3;
	v4 =	vand.u32 $0xFFFFFFC0, v62  }
0xa6: {  	v3 =	vor.u32 v3, v4  }
0xa7: {  	v4 =	vperm.xlane v3, v0;
	_ =	sdelay $0x1  }
0xa8: {  	v4 =	vadd.s32 v1, v4;
	_ =	sdelay $0x4  }
0xa9: {  	[tilespmem:s12], [sflag:$0x1] =	stream.indirect_vreg.gather [hbm4b:s3+s2], $0x80, v4, vm0, $0xb8;
	[tilespmem:$0x10080] =	vst v63  }
0xaa: {  	v3 =	vperm.xlane v3, v2  }
0xab: {  	[tilespmem:s13], [sflag:$0x1] =	stream.indirect_vreg.gather [hbm4b:s4+s2], $0x80, v4, vm0, $0xb8;
	[tilespmem:$0x10080] =	vst v63  }
0xac: {  	v3 =	vadd.s32 v1, v3  }
0xad: {  	[tilespmem:s14], [sflag:$0x1] =	stream.indirect_vreg.gather [hbm4b:s5+s2], $0x80, v4, vm0, $0xb8;
	[tilespmem:$0x10080] =	vst v63  }
0xae: {  	_ = 	snop  }
0xaf: {  	[tilespmem:s15], [sflag:$0x1] =	stream.indirect_vreg.gather [hbm4b:s6+s2], $0x80, v4, vm0, $0xb8;
	[tilespmem:$0x10080] =	vst v63  }
0xb0: {  	_ = 	snop  }
0xb1: {  	[tilespmem:s16], [sflag:$0x1] =	stream.indirect_vreg.gather [hbm4b:s3+s2], $0x80, v3, vm0, $0xb8;
	[tilespmem:$0x10080] =	vst v63  }
0xb2: {  	_ = 	snop  }
0xb3: {  	[tilespmem:s17], [sflag:$0x1] =	stream.indirect_vreg.gather [hbm4b:s4+s2], $0x80, v3, vm0, $0xb8;
	[tilespmem:$0x10080] =	vst v63  }
0xb4: {  	_ = 	snop  }
0xb5: {  	[tilespmem:s9], [sflag:$0x1] =	stream.indirect_vreg.gather [hbm4b:s5+s2], $0x80, v3, vm0, $0xb8;
	[tilespmem:$0x10080] =	vst v63  }
0xb6: {  	s19 =	simm.s32 $0xB880  }
0xb7: {  	[tilespmem:s19], [sflag:$0x1] =	stream.indirect_vreg.gather [hbm4b:s6+s2], $0x80, v3, vm0, $0xb8;
	[tilespmem:$0x10080] =	vst v63  }
0xb8: {  	v3 =	vld [tilespmem:$0x30];
	_ =	sdelay $0x4  }
0xb9: {  	v63 =	vshll.u32 v3, $0x3  }
0xba: {  	v3 =	vand.u32 $0x7, v3;
	v4 =	vand.u32 $0xFFFFFFC0, v63  }
0xbb: {  	v3 =	vor.u32 v3, v4  }
0xbc: {  	v4 =	vperm.xlane v3, v0;
	_ =	sdelay $0x1  }
0xbd: {  	v4 =	vadd.s32 v1, v4;
	_ =	sdelay $0x3  }
0xbe: {  	s19 =	simm.s32 $0xC080  }
0xbf: {  	[tilespmem:s19], [sflag:$0x1] =	stream.indirect_vreg.gather [hbm4b:s3+s2], $0x80, v4, vm0, $0xb8;
	[tilespmem:$0x10080] =	vst v63  }
0xc0: {  	v3 =	vperm.xlane v3, v2;
	s19 =	simm.s32 $0xC880  }
0xc1: {  	[tilespmem:s19], [sflag:$0x1] =	stream.indirect_vreg.gather [hbm4b:s4+s2], $0x80, v4, vm0, $0xb8;
	[tilespmem:$0x10080] =	vst v63  }
0xc2: {  	v3 =	vadd.s32 v1, v3;
	s19 =	simm.s32 $0xD080  }
0xc3: {  	[tilespmem:s19], [sflag:$0x1] =	stream.indirect_vreg.gather [hbm4b:s5+s2], $0x80, v4, vm0, $0xb8;
	[tilespmem:$0x10080] =	vst v63  }
0xc4: {  	s19 =	simm.s32 $0xD880  }
0xc5: {  	[tilespmem:s19], [sflag:$0x1] =	stream.indirect_vreg.gather [hbm4b:s6+s2], $0x80, v4, vm0, $0xb8;
	[tilespmem:$0x10080] =	vst v63  }
0xc6: {  	s19 =	simm.s32 $0xE080  }
0xc7: {  	[tilespmem:s19], [sflag:$0x1] =	stream.indirect_vreg.gather [hbm4b:s3+s2], $0x80, v3, vm0, $0xb8;
	[tilespmem:$0x10080] =	vst v63  }
0xc8: {  	s19 =	simm.s32 $0xE880  }
0xc9: {  	[tilespmem:s19], [sflag:$0x1] =	stream.indirect_vreg.gather [hbm4b:s4+s2], $0x80, v3, vm0, $0xb8;
	[tilespmem:$0x10080] =	vst v63  }
0xca: {  	s19 =	simm.s32 $0xF080  }
0xcb: {  	[tilespmem:s19], [sflag:$0x1] =	stream.indirect_vreg.gather [hbm4b:s5+s2], $0x80, v3, vm0, $0xb8;
	[tilespmem:$0x10080] =	vst v63  }
0xcc: {  	s19 =	simm.s32 $0xF880  }
0xcd: {  	[tilespmem:s19], [sflag:$0x1] =	stream.indirect_vreg.gather [hbm4b:s6+s2], $0x80, v3, vm0, $0xb8;
	[tilespmem:$0x10080] =	vst v63  }
0xce: {  	_ =	swait.ge [sflag:s18], $0x10000  }
0xcf: {  	p0 =	sne.s32 s7, $0x1;
	[sflag:s18] =	ssyncset.done $0x0  }
.Ltmp0:
0xd0: {  	s1 =	rddreg [dreg:$0x6];
	[sflag:s18] =	ssyncadd.s32 $0xFFFF0000;
	(pc) =	sbr.rel @p0 .LBB2_1-.Ltmp0, $4  }
0xd1: {  	[hbm4b:s1+s2] =	stream.linear.scatter [tilespmem:s0], [sflag:$0x2], $0x10000, $0x38;
	[tilespmem:$0x10080] =	vst v63  }
0xd2: {  	_ =	swait.ge [sflag:s8], $0x10000  }
0xd3: {  	[sflag:s8] =	ssyncset.done $0x0  }
0xd4: {  	s7 =	sadd.s32 $0xFFFFFFFF, s7;
	[sflag:s8] =	ssyncadd.s32 $0xFFFF0000  }
0xd5: {  	_ =	sfence.sel $0x180000  }
0xd6: {  	[bflag:$0x0] =	sbarrier.arrive $0xFFFF  }
0xd7: {  	_ =	strace $0x9000004A  }
0xd8: {  	s0 =	stileid.u32;
	[bflag:$0x2] =	sbarrier.arrive $0xFFFF  }
0xd9: {  	p0 =	sne.s32 s0, $0x0;
	s0 =	rddreg [dreg:$0x2]  }
0xda: {  	s0 =	sadd.s32 @!p0 $0x100000, s0  }
0xdb: {  	[sflag:s0] =	ssyncadd.tile.s32 @!p0 $0x1;
	_ =	shalt  }
.Lfunc_end2:
_tile_overlayer_lowered:
.L_overlay_start_2:
0xdc: {  	(tag) =	ssettag $0x2  }
0xdd: {  	s0 =	rddreg [dreg:$0x0];
	s2 =	stileid.u32  }
0xde: {  	s1 =	rddreg [dreg:$0x1];
	p0 =	sne.s32 s2, $0x0  }
0xdf: {  	s3 =	rddreg [dreg:$0x2];
	[bflag:$0x3] =	sbarrier.arrive $0xFFFF;
	s2 =	simm.s32 @!p0 $0x1C02  }
0xe0: {  	[timem:s3], [sflag:s2] =	dma.local @!p0 [hbm:s0], s1  }
0xe1: {  	s0 =	simm.s32 @!p0 $0x2  }
0xe2: {  	_ =	swait.ge @!p0 [sflag:s0], s1  }
0xe3: {  	s1 =	ssub.s32 @!p0 $0x0, s1;
	[sflag:s0] =	ssyncset.done @!p0 $0x0  }
0xe4: {  	[sflag:s0] =	ssyncadd.s32 @!p0 s1  }
0xe5: {  	[bflag:$0x3] =	sbarrier.arrive $0xFFFF  }
0xe6: {  	_ =	shalt  }

// kernel: kernel.7.cloned.1.call-start
scs
__scs_entry_jumppad:
0x0: {  	(pc) =	sbr.rel $0x88, $3  }
0x1: {  	(tag) =	ssettag $0x0;
	lr =	simm.s32 $0x1  }
0x2: {  	[smem:$0x3F9A] =	sst lr;
	_ =	strace $0xD0000000  }
0x3: {  	_ = 	snop  }
0x4: {  	_ = 	snop  }
0x5: {  	_ = 	snop  }
0x6: {  	_ = 	snop  }
0x7: {  	_ = 	snop  }
__scs_overlays_trampoline_lowered:
0x8: {  	[smem:$0x3FA9] =	sst s0  }
0x9: {  	[smem:$0x3FAA] =	sst s1  }
0xa: {  	[smem:$0x3FAB] =	sst s2  }
0xb: {  	[smem:$0x3FAC] =	sst s3  }
0xc: {  	[smem:$0x3FAD] =	sst s4  }
0xd: {  	[smem:$0x3FAE] =	sst s5  }
0xe: {  	[smem:$0x3FAF] =	sst s6  }
0xf: {  	[smem:$0x3FB0] =	sst s7  }
0x10: {  	[smem:$0x3FB1] =	sst s8  }
0x11: {  	[smem:$0x3FB2] =	sst s9;
	s0 =	simm.s32 @!p0 $0x0  }
0x12: {  	s1 =	sld [smem:$0x3F98];
	s0 =	simm.s32 @p0 $0x1  }
0x13: {  	[smem:$0x3FB3] =	sst s0;
	s0 =	simm.s32 @!p1 $0x0  }
0x14: {  	s2 =	sld [smem:$0x3F97];
	s0 =	simm.s32 @p1 $0x1  }
0x15: {  	[smem:$0x3FB4] =	sst s0;
	s0 =	simm.s32 @!p2 $0x0  }
0x16: {  	s3 =	sld [smem:$0x3FDB];
	s0 =	simm.s32 @p2 $0x1  }
0x17: {  	s4 =	simm.s32 $0x1BF5;
	[smem:$0x3FB6] =	sst s0  }
0x18: {  	s0 =	sld [smem:$0x3F99];
	_ =	swait.ge [sflag:s4], $0x0  }
0x19: {  	s7 =	sld [smem:$0x3F9A]  }
0x1a: {  	s8 =	sadd.s32 $0xFFFFE003, lr  }
0x1b: {  	s9 =	sadd.s32 $0xFFFFFEF7, lr;
	s5 =	simm.s32 $0xFFFFFFFF;
	p2 =	slt.u32 s8, $0xFFFFF086  }
0x1c: {  	p1 =	slt.u32 s9, $0xF7A;
	s5 =	simm.s32 @!p2 $0x0  }
0x1d: {  	s5 =	simm.s32 @p1 $0x1;
	p0 =	seq.s32 s7, s2  }
0x1e: {  	s7 =	smul.u32 @!p0 $0xF7A, s2;
	p2 =	seq.s32 @!p0 s5, $0x0  }
0x1f: {  	s9 =	smul.u32 $0xF7A, s1;
	s8 =	simm.s32 @!p0 $0x1BF5;
	p2 =	por !p2, p0  }
0x20: {  	[sflag:s8] =	ssyncset.s32 @!p0 $0xFFFFF086;
	s6 =	sadd.s32 @!p0 s3, s7;
	s7 =	simm.s32 @!p0 $0x108  }
0x21: {  	s3 =	sadd.s32 s3, s9;
	s6 =	sadd.s32 @!p0 $0x88, s6;
	s7 =	simm.s32 @p2 $0x1082  }
0x22: {  	[simem:s7], [sflag:s8] =	dma.local @!p0 [hbm:s6], $0xF7A  }
0x23: {  	s9 =	sor.u32 $0xD0000000, s2;
	s6 =	simm.s32 $0x108;
	_ =	swait.ge @!p0 [sflag:s8], $0x0  }
0x24: {  	s3 =	sadd.s32 $0x88, s3;
	s6 =	simm.s32 @!p1 $0x1082;
	[sflag:s4] =	ssyncset.s32 $0xFFFFF086  }
0x25: {  	[simem:s6], [sflag:s4] =	dma.local [hbm:s3], $0xF7A  }
0x26: {  	[smem:$0x3F9A] =	sst s1;
	(tag) =	ssettag s2;
	_ =	strace s9  }
0x27: {  	s1 =	sld [smem:$0x3FAA]  }
0x28: {  	s2 =	sld [smem:$0x3FAB]  }
0x29: {  	s4 =	sld [smem:$0x3FAD]  }
0x2a: {  	p0 =	seq.s32 s5, $0x0;
	s5 =	sld [smem:$0x3FAE]  }
0x2b: {  	s6 =	sld [smem:$0x3FAF]  }
0x2c: {  	s7 =	sld [smem:$0x3FB0]  }
0x2d: {  	s3 =	simm.s32 $0x108;
	s8 =	sld [smem:$0x3FB1]  }
0x2e: {  	s3 =	simm.s32 @!p0 $0x1082;
	s9 =	sld [smem:$0x3FB2]  }
0x2f: {  	lr =	sadd.s32 s0, s3;
	s0 =	sld [smem:$0x3FA9]  }
0x30: {  	s3 =	sld [smem:$0x3FAC]  }
0x31: {  	[smem:$0x3FB5] =	sst s10  }
0x32: {  	s10 =	sld [smem:$0x3FB3];
	_ =	sdelay $0x3  }
0x33: {  	p0 =	seq.s32 s10, $0x1;
	s10 =	sld [smem:$0x3FB5];
	_ =	sdelay $0x3  }
0x34: {  	[smem:$0x3FB5] =	sst s10  }
0x35: {  	s10 =	sld [smem:$0x3FB4];
	_ =	sdelay $0x3  }
0x36: {  	p1 =	seq.s32 s10, $0x1;
	s10 =	sld [smem:$0x3FB5];
	_ =	sdelay $0x3  }
0x37: {  	[smem:$0x3FB5] =	sst s10  }
0x38: {  	s10 =	sld [smem:$0x3FB6]  }
0x39: {  	_ = 	snop;
	(pc) =	sbr.ind lr, $3  }
0x3a: {  	_ = 	snop  }
0x3b: {  	_ = 	snop  }
0x3c: {  	p2 =	seq.s32 s10, $0x1;
	s10 =	sld [smem:$0x3FB5]  }
0x3d: {  	_ =	shalt  }
0x3e: {  	_ =	shalt  }
0x3f: {  	_ =	shalt  }
0x40: {  	_ =	shalt  }
0x41: {  	_ =	shalt  }
0x42: {  	_ =	shalt  }
0x43: {  	_ =	shalt  }
0x44: {  	_ =	shalt  }
0x45: {  	_ =	shalt  }
0x46: {  	_ =	shalt  }
0x47: {  	_ =	shalt  }
0x48: {  	_ =	shalt  }
0x49: {  	_ =	shalt  }
0x4a: {  	_ =	shalt  }
0x4b: {  	_ =	shalt  }
0x4c: {  	_ =	shalt  }
0x4d: {  	_ =	shalt  }
0x4e: {  	_ =	shalt  }
0x4f: {  	_ =	shalt  }
0x50: {  	_ =	shalt  }
0x51: {  	_ =	shalt  }
0x52: {  	_ =	shalt  }
0x53: {  	_ =	shalt  }
0x54: {  	_ =	shalt  }
0x55: {  	_ =	shalt  }
0x56: {  	_ =	shalt  }
0x57: {  	_ =	shalt  }
0x58: {  	_ =	shalt  }
0x59: {  	_ =	shalt  }
0x5a: {  	_ =	shalt  }
0x5b: {  	_ =	shalt  }
0x5c: {  	_ =	shalt  }
0x5d: {  	_ =	shalt  }
0x5e: {  	_ =	shalt  }
0x5f: {  	_ =	shalt  }
0x60: {  	_ =	shalt  }
0x61: {  	_ =	shalt  }
0x62: {  	_ =	shalt  }
0x63: {  	_ =	shalt  }
0x64: {  	_ =	shalt  }
0x65: {  	_ =	shalt  }
0x66: {  	_ =	shalt  }
0x67: {  	_ =	shalt  }
0x68: {  	_ =	shalt  }
0x69: {  	_ =	shalt  }
0x6a: {  	_ =	shalt  }
0x6b: {  	_ =	shalt  }
0x6c: {  	_ =	shalt  }
0x6d: {  	_ =	shalt  }
0x6e: {  	_ =	shalt  }
0x6f: {  	_ =	shalt  }
0x70: {  	_ =	shalt  }
0x71: {  	_ =	shalt  }
0x72: {  	_ =	shalt  }
0x73: {  	_ =	shalt  }
0x74: {  	_ =	shalt  }
0x75: {  	_ =	shalt  }
0x76: {  	_ =	shalt  }
0x77: {  	_ =	shalt  }
0x78: {  	_ =	shalt  }
0x79: {  	_ =	shalt  }
0x7a: {  	_ =	shalt  }
0x7b: {  	_ =	shalt  }
0x7c: {  	_ =	shalt  }
0x7d: {  	_ =	shalt  }
0x7e: {  	_ =	shalt  }
0x7f: {  	_ =	shalt  }
0x80: {  	_ =	shalt  }
0x81: {  	_ =	shalt  }
0x82: {  	_ =	shalt  }
0x83: {  	_ =	shalt  }
0x84: {  	_ =	shalt  }
0x85: {  	_ =	shalt  }
0x86: {  	_ =	shalt  }
0x87: {  	_ =	shalt  }
.Lfunc_end0:
.L_simem_size_0:
called_computation_lowered:
.L_overlay_start_0:
0x88: {  	s2 =	sld [smem:$0x3FD9]  }
0x89: {  	s3 =	sld [smem:$0x3FFE];
	_ =	sdelay $0x1  }
0x8a: {  	s1 =	srdreg.scid  }
0x8b: {  	s0 =	sand.u32 $0x1, s1  }
0x8c: {  	s17 =	sshll.u32 s0, $0xA;
	s2 =	sadd.s32 s3, s2  }
0x8d: {  	s2 =	sadd.s32 s2, s17  }
0x8e: {  	[smem:$0x3FC1] =	sst s2  }
0x8f: {  	_ = 	snop  }
0x90: {  	s2 =	sld [smem:$0x3FC9]  }
0x91: {  	s18 =	sld [smem:$0x3FD0];
	(tm) =	ssettm $0x1  }
0x92: {  	s4 =	sld [smem:$0x3FFB];
	_ =	sdelay $0x3  }
0x93: {  	_ =	strace s4  }
0x94: {  	s4 =	sld [smem:$0x3FFC];
	_ =	sdelay $0x3  }
0x95: {  	_ =	strace s4  }
0x96: {  	s4 =	sld [smem:$0x3FFD];
	_ =	sdelay $0x3  }
0x97: {  	_ =	strace s4  }
0x98: {  	_ =	strace $0x8FFFFFFF  }
0x99: {  	s19 =	sld [smem:$0x3FDB];
	_ =	sdelay $0x1  }
0x9a: {  	s5 =	simm.s32 $_scs_section_size  }
0x9b: {  	s6 =	simm.s32 $_size__tile_overlayer_lowered;
	s7 =	simm.s32 $_tile_overlayer_lowered  }
0x9c: {  	s22 =	simm.s32 $0x1BFF;
	s21 =	sshll.u32 s7, $0x1;
	s4 =	sadd.s32 s5, s19  }
0x9d: {  	s8 =	simm.s32 $0x0;
	s20 =	sshll.u32 s6, $0x1;
	s6 =	sadd.s32 s21, s4  }
0x9e: {  	[timem:s8], [sflag:s22] =	dma.local [hbm:s6], s20  }
0x9f: {  	_ =	swait.ge [sflag:s22], s20  }
0xa0: {  	s5 =	ssub.s32 $0x0, s20;
	[sflag:s22] =	ssyncset.done $0x0  }
0xa1: {  	[sflag:s22] =	ssyncadd.s32 s5;
	_ =	sdelay $0x1  }
0xa2: {  	s23 =	simm.s32 $0x1B8B  }
0xa3: {  	_ =	swait.ge [sflag:s23], $0x1  }
0xa4: {  	[sflag:s23] =	ssyncset.done $0x0  }
0xa5: {  	s25 =	simm.s32 $0x1B8E;
	s24 =	sld [smem:$0x3FFE];
	[sflag:s23] =	ssyncadd.s32 $0xFFFFFFFF  }
0xa6: {  	s26 =	simm.s32 $execute0_lowered;
	[smem:$0x3FD2] =	sst s25  }
0xa7: {  	s6 =	sshll.u32 s26, $0x1;
	_ =	strace $0x80000046;
	[dreg:$0x1] =	wrdreg $0xFFFFFFFF  }
0xa8: {  	s28 =	simm.s32 $_size_execute0_lowered;
	s4 =	sadd.s32 s4, s6;
	[dreg:$0x0] =	wrdreg $0x0  }
0xa9: {  	s6 =	sshll.u32 s28, $0x1;
	[dreg:$0x2] =	wrdreg s4  }
0xaa: {  	[dreg:$0x3] =	wrdreg s6  }
0xab: {  	[dreg:$0x4] =	wrdreg $0xC0  }
0xac: {  	_ =	task [dreg:s8], $0x5FFFF  }
0xad: {  	[dreg:$0x1] =	wrdreg $0xFFFFFFFF  }
0xae: {  	[dreg:$0x0] =	wrdreg $0x60  }
0xaf: {  	[dreg:$0x2] =	wrdreg s2  }
0xb0: {  	[dreg:$0x3] =	wrdreg s18  }
0xb1: {  	[dreg:$0x4] =	wrdreg s24  }
0xb2: {  	[dreg:$0x5] =	wrdreg $0x9  }
0xb3: {  	_ =	task.clear_ibuf [dreg:s8], $0x6FFFF;
	_ =	strace $0x90000046  }
0xb4: {  	s29 =	simm.s32 $0x9;
	_ =	strace $0x80000048  }
0xb5: {  	_ =	swait.ge [sflag:s29], $0x1  }
0xb6: {  	[sflag:s29] =	ssyncadd.s32 $0xFFFFFFFF  }
0xb7: {  	_ =	strace $0x90000048  }
0xb8: {  	_ =	sfence  }
0xb9: {  	s30 =	sld [smem:$0x0];
	_ =	sdelay $0x2  }
0xba: {  	s31 =	sshll.u32 s1, $0xD;
	s1 =	sshrl.u32 s1, $0x2  }
0xbb: {  	s3 =	sand.u32 $0x4000, s31;
	s1 =	sadd.s32 s1, s30  }
0xbc: {  	s0 =	sor.u32 s3, s0;
	s1 =	sshll.u32 s1, $0x11  }
0xbd: {  	s0 =	sor.u32 s1, s0  }
0xbe: {  	s0 =	sadd.s32 $0x8F2B, s0  }
0xbf: {  	[sflag:s0] =	ssyncadd.remote.s32 $0x1  }
0xc0: {  	_ =	sfence.sel $0xFFFF  }
0xc1: {  	[dreg:$0x0] =	wrdreg $0xFFFFFFFF;
	(pc) =	sbr.abs _section_cstart, $3  }
0xc2: {  	[dreg:$0x1] =	wrdreg $0xFFFFFFFF  }
0xc3: {  	_ =	task.clear_ibuf [dreg:s8], $0x2FFFF;
	_ =	strace $0x9FFFFFFF  }
0xc4: {  	(tm) =	ssettm $0x7FFFFFFF  }
0xc5: {  	_ =	shalt  }
tec
execute0_lowered:
.L_overlay_start_1:
0x0: {  	(tag) =	ssettag $0x1  }
0x1: {  	s0 =	rddreg [dreg:$0x0]  }
0x2: {  	s1 =	srdreg.scid;
	s4 =	rddreg [dreg:$0x1]  }
0x3: {  	s2 =	stileid.u32;
	s6 =	rddreg [dreg:$0x2];
	s9 =	simm.s32 $0x2  }
0x4: {  	s18 =	simm.s32 $0x1;
	s20 =	simm.s32 $0x880;
	s21 =	simm.s32 $0x1080  }
0x5: {  	s22 =	simm.s32 $0x1880;
	s23 =	simm.s32 $0x2080;
	s28 =	simm.s32 $0x4080  }
0x6: {  	s29 =	simm.s32 $0x4880;
	s30 =	simm.s32 $0x5080;
	s31 =	simm.s32 $0x5880  }
0x7: {  	s10 =	simm.s32 $0x7080;
	s11 =	simm.s32 $0x7880;
	s12 =	simm.s32 $0x8080  }
0x8: {  	s13 =	simm.s32 $0x8880;
	s14 =	simm.s32 $0x9080;
	s15 =	simm.s32 $0x9880  }
0x9: {  	s16 =	simm.s32 $0xA080;
	s17 =	simm.s32 $0xA880;
	s1 =	sand.u32 $0x1, s1  }
0xa: {  	s3 =	sshll.u32 s2, $0x7;
	s2 =	simm.s32 $0x0;
	s5 =	sshll.u32 s1, $0x6  }
0xb: {  	[smem:$0x7FF] =	sst s2;
	s1 =	ssub.s32 $0x2, s1;
	s3 =	sor.u32 s5, s3  }
0xc: {  	_ =	strace $0x80000047;
	s24 =	sshrl.u32 s1, $0x1;
	s5 =	sshrl.u32 s3, $0x3  }
0xd: {  	s8 =	sshll.u32 s3, $0x7;
	s3 =	sadd.s32 $0x13000, s6;
	s1 =	ssub.s32 s1, s24  }
0xe: {  	s24 =	simm.s32 $0x2880;
	s7 =	sadd.s32 s5, s6;
	s0 =	sadd.s32 s0, s8  }
0xf: {  	s25 =	sadd.s32 s4, s5;
	s4 =	sadd.s32 $0x13100, s6;
	[dreg:$0x4] =	wrdreg s0  }
0x10: {  	v2 =	vlaneseq.u32;
	s5 =	sadd.s32 $0x13200, s6;
	s6 =	sadd.s32 $0x13300, s6;
	[dreg:$0x5] =	wrdreg s25  }
0x11: {  	vm0 =	vmmov $0xffff;
	v1 =	vshrl.u32 v2, $0x3;
	s26 =	sadd.s32 $0x2A00, s7;
	s7 =	smax.u32 s1, $0x1;
	s25 =	simm.s32 $0x3080  }
0x12: {  	v0 =	vand.u32 $0x7, v2;
	v2 =	vor.u32 $0x8, v2;
	v1 =	vmul.u32 $0x8, v1;
	s1 =	simm.s32 $0x6080;
	[dreg:$0x6] =	wrdreg s26;
	s26 =	simm.s32 $0x3880  }
.LBB2_1:
0x13: {  	s19 =	rddreg [dreg:$0x4];
	s0 =	simm.s32 $0x80  }
0x14: {  	[tilespmem:s0], [sflag:$0x2] =	stream.linear.gather [hbm4b:s19+s2], $0x10000, $0x38;
	[tilespmem:$0x10080] =	vst v63  }
0x15: {  	_ =	swait.ge [sflag:s9], $0x10000  }
0x16: {  	[sflag:s9] =	ssyncset.done $0x0  }
0x17: {  	s8 =	rddreg [dreg:$0x5];
	[sflag:s9] =	ssyncadd.s32 $0xFFFF0000  }
0x18: {  	[tilespmem:s2], [sflag:$0x2] =	stream.linear.gather [hbm4b:s8+s2], $0x40, $0x38;
	[tilespmem:$0x10080] =	vst v63  }
0x19: {  	_ =	swait.ge [sflag:s9], $0x40  }
0x1a: {  	[sflag:s9] =	ssyncset.done $0x0  }
0x1b: {  	[sflag:s9] =	ssyncadd.s32 $0xFFFFFFC0  }
0x1c: {  	v3 =	vld [tilespmem:$0x0];
	_ =	sdelay $0x4  }
0x1d: {  	v4 =	vshll.u32 v3, $0x3  }
0x1e: {  	v3 =	vand.u32 $0x7, v3;
	v4 =	vand.u32 $0xFFFFFFC0, v4  }
0x1f: {  	v3 =	vor.u32 v3, v4  }
0x20: {  	v4 =	vperm.xlane v3, v0;
	_ =	sdelay $0x1  }
0x21: {  	v4 =	vadd.s32 v1, v4;
	_ =	sdelay $0x4  }
0x22: {  	[hbm4b:s3+s2] =	stream.indirect_vreg.scatter [tilespmem:s0], [sflag:$0x1], $0x80, v4, vm0, $0xb8;
	[tilespmem:$0x10080] =	vst v63  }
0x23: {  	v3 =	vperm.xlane v3, v2  }
0x24: {  	[hbm4b:s4+s2] =	stream.indirect_vreg.scatter [tilespmem:s20], [sflag:$0x1], $0x80, v4, vm0, $0xb8;
	[tilespmem:$0x10080] =	vst v63  }
0x25: {  	v3 =	vadd.s32 v1, v3  }
0x26: {  	[hbm4b:s5+s2] =	stream.indirect_vreg.scatter [tilespmem:s21], [sflag:$0x1], $0x80, v4, vm0, $0xb8;
	[tilespmem:$0x10080] =	vst v63  }
0x27: {  	_ = 	snop  }
0x28: {  	[hbm4b:s6+s2] =	stream.indirect_vreg.scatter [tilespmem:s22], [sflag:$0x1], $0x80, v4, vm0, $0xb8;
	[tilespmem:$0x10080] =	vst v63  }
0x29: {  	_ = 	snop  }
0x2a: {  	[hbm4b:s3+s2] =	stream.indirect_vreg.scatter [tilespmem:s23], [sflag:$0x1], $0x80, v3, vm0, $0xb8;
	[tilespmem:$0x10080] =	vst v63  }
0x2b: {  	_ = 	snop  }
0x2c: {  	[hbm4b:s4+s2] =	stream.indirect_vreg.scatter [tilespmem:s24], [sflag:$0x1], $0x80, v3, vm0, $0xb8;
	[tilespmem:$0x10080] =	vst v63  }
0x2d: {  	_ = 	snop  }
0x2e: {  	[hbm4b:s5+s2] =	stream.indirect_vreg.scatter [tilespmem:s25], [sflag:$0x1], $0x80, v3, vm0, $0xb8;
	[tilespmem:$0x10080] =	vst v63  }
0x2f: {  	_ = 	snop  }
0x30: {  	[hbm4b:s6+s2] =	stream.indirect_vreg.scatter [tilespmem:s26], [sflag:$0x1], $0x80, v3, vm0, $0xb8;
	[tilespmem:$0x10080] =	vst v63  }
0x31: {  	v3 =	vld [tilespmem:$0x10];
	_ =	sdelay $0x4  }
0x32: {  	v57 =	vshll.u32 v3, $0x3  }
0x33: {  	v3 =	vand.u32 $0x7, v3;
	v4 =	vand.u32 $0xFFFFFFC0, v57  }
0x34: {  	v3 =	vor.u32 v3, v4  }
0x35: {  	v4 =	vperm.xlane v3, v0;
	_ =	sdelay $0x1  }
0x36: {  	v4 =	vadd.s32 v1, v4;
	_ =	sdelay $0x4  }
0x37: {  	[hbm4b:s3+s2] =	stream.indirect_vreg.scatter [tilespmem:s28], [sflag:$0x1], $0x80, v4, vm0, $0xb8;
	[tilespmem:$0x10080] =	vst v63  }
0x38: {  	v3 =	vperm.xlane v3, v2  }
0x39: {  	[hbm4b:s4+s2] =	stream.indirect_vreg.scatter [tilespmem:s29], [sflag:$0x1], $0x80, v4, vm0, $0xb8;
	[tilespmem:$0x10080] =	vst v63  }
0x3a: {  	v3 =	vadd.s32 v1, v3  }
0x3b: {  	[hbm4b:s5+s2] =	stream.indirect_vreg.scatter [tilespmem:s30], [sflag:$0x1], $0x80, v4, vm0, $0xb8;
	[tilespmem:$0x10080] =	vst v63  }
0x3c: {  	_ = 	snop  }
0x3d: {  	[hbm4b:s6+s2] =	stream.indirect_vreg.scatter [tilespmem:s31], [sflag:$0x1], $0x80, v4, vm0, $0xb8;
	[tilespmem:$0x10080] =	vst v63  }
0x3e: {  	_ = 	snop  }
0x3f: {  	[hbm4b:s3+s2] =	stream.indirect_vreg.scatter [tilespmem:s1], [sflag:$0x1], $0x80, v3, vm0, $0xb8;
	[tilespmem:$0x10080] =	vst v63  }
0x40: {  	s8 =	simm.s32 $0x6880  }
0x41: {  	[hbm4b:s4+s2] =	stream.indirect_vreg.scatter [tilespmem:s8], [sflag:$0x1], $0x80, v3, vm0, $0xb8;
	[tilespmem:$0x10080] =	vst v63  }
0x42: {  	_ = 	snop  }
0x43: {  	[hbm4b:s5+s2] =	stream.indirect_vreg.scatter [tilespmem:s10], [sflag:$0x1], $0x80, v3, vm0, $0xb8;
	[tilespmem:$0x10080] =	vst v63  }
0x44: {  	_ = 	snop  }
0x45: {  	[hbm4b:s6+s2] =	stream.indirect_vreg.scatter [tilespmem:s11], [sflag:$0x1], $0x80, v3, vm0, $0xb8;
	[tilespmem:$0x10080] =	vst v63  }
0x46: {  	v3 =	vld [tilespmem:$0x20];
	_ =	sdelay $0x4  }
0x47: {  	v58 =	vshll.u32 v3, $0x3  }
0x48: {  	v3 =	vand.u32 $0x7, v3;
	v4 =	vand.u32 $0xFFFFFFC0, v58  }
0x49: {  	v3 =	vor.u32 v3, v4  }
0x4a: {  	v4 =	vperm.xlane v3, v0;
	_ =	sdelay $0x1  }
0x4b: {  	v4 =	vadd.s32 v1, v4;
	_ =	sdelay $0x4  }
0x4c: {  	[hbm4b:s3+s2] =	stream.indirect_vreg.scatter [tilespmem:s12], [sflag:$0x1], $0x80, v4, vm0, $0xb8;
	[tilespmem:$0x10080] =	vst v63  }
0x4d: {  	v3 =	vperm.xlane v3, v2  }
0x4e: {  	[hbm4b:s4+s2] =	stream.indirect_vreg.scatter [tilespmem:s13], [sflag:$0x1], $0x80, v4, vm0, $0xb8;
	[tilespmem:$0x10080] =	vst v63  }
0x4f: {  	v3 =	vadd.s32 v1, v3  }
0x50: {  	[hbm4b:s5+s2] =	stream.indirect_vreg.scatter [tilespmem:s14], [sflag:$0x1], $0x80, v4, vm0, $0xb8;
	[tilespmem:$0x10080] =	vst v63  }
0x51: {  	_ = 	snop  }
0x52: {  	[hbm4b:s6+s2] =	stream.indirect_vreg.scatter [tilespmem:s15], [sflag:$0x1], $0x80, v4, vm0, $0xb8;
	[tilespmem:$0x10080] =	vst v63  }
0x53: {  	_ = 	snop  }
0x54: {  	[hbm4b:s3+s2] =	stream.indirect_vreg.scatter [tilespmem:s16], [sflag:$0x1], $0x80, v3, vm0, $0xb8;
	[tilespmem:$0x10080] =	vst v63  }
0x55: {  	_ = 	snop  }
0x56: {  	[hbm4b:s4+s2] =	stream.indirect_vreg.scatter [tilespmem:s17], [sflag:$0x1], $0x80, v3, vm0, $0xb8;
	[tilespmem:$0x10080] =	vst v63  }
0x57: {  	s8 =	simm.s32 $0xB080  }
0x58: {  	[hbm4b:s5+s2] =	stream.indirect_vreg.scatter [tilespmem:s8], [sflag:$0x1], $0x80, v3, vm0, $0xb8;
	[tilespmem:$0x10080] =	vst v63  }
0x59: {  	s19 =	simm.s32 $0xB880  }
0x5a: {  	[hbm4b:s6+s2] =	stream.indirect_vreg.scatter [tilespmem:s19], [sflag:$0x1], $0x80, v3, vm0, $0xb8;
	[tilespmem:$0x10080] =	vst v63  }
0x5b: {  	v3 =	vld [tilespmem:$0x30];
	_ =	sdelay $0x4  }
0x5c: {  	v59 =	vshll.u32 v3, $0x3  }
0x5d: {  	v3 =	vand.u32 $0x7, v3;
	v4 =	vand.u32 $0xFFFFFFC0, v59  }
0x5e: {  	v3 =	vor.u32 v3, v4  }
0x5f: {  	v4 =	vperm.xlane v3, v0;
	_ =	sdelay $0x1  }
0x60: {  	v4 =	vadd.s32 v1, v4;
	_ =	sdelay $0x3  }
0x61: {  	s19 =	simm.s32 $0xC080  }
0x62: {  	[hbm4b:s3+s2] =	stream.indirect_vreg.scatter [tilespmem:s19], [sflag:$0x1], $0x80, v4, vm0, $0xb8;
	[tilespmem:$0x10080] =	vst v63  }
0x63: {  	v3 =	vperm.xlane v3, v2;
	s19 =	simm.s32 $0xC880  }
0x64: {  	[hbm4b:s4+s2] =	stream.indirect_vreg.scatter [tilespmem:s19], [sflag:$0x1], $0x80, v4, vm0, $0xb8;
	[tilespmem:$0x10080] =	vst v63  }
0x65: {  	v3 =	vadd.s32 v1, v3;
	s19 =	simm.s32 $0xD080  }
0x66: {  	[hbm4b:s5+s2] =	stream.indirect_vreg.scatter [tilespmem:s19], [sflag:$0x1], $0x80, v4, vm0, $0xb8;
	[tilespmem:$0x10080] =	vst v63  }
0x67: {  	s19 =	simm.s32 $0xD880  }
0x68: {  	[hbm4b:s6+s2] =	stream.indirect_vreg.scatter [tilespmem:s19], [sflag:$0x1], $0x80, v4, vm0, $0xb8;
	[tilespmem:$0x10080] =	vst v63  }
0x69: {  	s19 =	simm.s32 $0xE080  }
0x6a: {  	[hbm4b:s3+s2] =	stream.indirect_vreg.scatter [tilespmem:s19], [sflag:$0x1], $0x80, v3, vm0, $0xb8;
	[tilespmem:$0x10080] =	vst v63  }
0x6b: {  	s19 =	simm.s32 $0xE880  }
0x6c: {  	[hbm4b:s4+s2] =	stream.indirect_vreg.scatter [tilespmem:s19], [sflag:$0x1], $0x80, v3, vm0, $0xb8;
	[tilespmem:$0x10080] =	vst v63  }
0x6d: {  	s19 =	simm.s32 $0xF080  }
0x6e: {  	[hbm4b:s5+s2] =	stream.indirect_vreg.scatter [tilespmem:s19], [sflag:$0x1], $0x80, v3, vm0, $0xb8;
	[tilespmem:$0x10080] =	vst v63  }
0x6f: {  	s19 =	simm.s32 $0xF880  }
0x70: {  	[hbm4b:s6+s2] =	stream.indirect_vreg.scatter [tilespmem:s19], [sflag:$0x1], $0x80, v3, vm0, $0xb8;
	[tilespmem:$0x10080] =	vst v63  }
0x71: {  	_ =	swait.ge [sflag:s18], $0x10000  }
0x72: {  	[sflag:s18] =	ssyncset.done $0x0  }
0x73: {  	s19 =	rddreg [dreg:$0x6];
	[sflag:s18] =	ssyncadd.s32 $0xFFFF0000  }
0x74: {  	[tilespmem:s2], [sflag:$0x2] =	stream.linear.gather [hbm4b:s19+s2], $0x40, $0x38;
	[tilespmem:$0x10080] =	vst v63  }
0x75: {  	_ =	swait.ge [sflag:s9], $0x40  }
0x76: {  	[sflag:s9] =	ssyncset.done $0x0  }
0x77: {  	[sflag:s9] =	ssyncadd.s32 $0xFFFFFFC0  }
0x78: {  	v3 =	vld [tilespmem:$0x0];
	_ =	sdelay $0x4  }
0x79: {  	v60 =	vshll.u32 v3, $0x3  }
0x7a: {  	v3 =	vand.u32 $0x7, v3;
	v4 =	vand.u32 $0xFFFFFFC0, v60  }
0x7b: {  	v3 =	vor.u32 v3, v4  }
0x7c: {  	v4 =	vperm.xlane v3, v0;
	_ =	sdelay $0x1  }
0x7d: {  	v4 =	vadd.s32 v1, v4;
	_ =	sdelay $0x4  }
0x7e: {  	[hbm4b:s3+s2] =	stream.indirect_vreg.scatter [tilespmem:s0], [sflag:$0x1], $0x80, v4, vm0, $0xb8;
	[tilespmem:$0x10080] =	vst v63  }
0x7f: {  	v3 =	vperm.xlane v3, v2  }
0x80: {  	[hbm4b:s4+s2] =	stream.indirect_vreg.scatter [tilespmem:s20], [sflag:$0x1], $0x80, v4, vm0, $0xb8;
	[tilespmem:$0x10080] =	vst v63  }
0x81: {  	v3 =	vadd.s32 v1, v3  }
0x82: {  	[hbm4b:s5+s2] =	stream.indirect_vreg.scatter [tilespmem:s21], [sflag:$0x1], $0x80, v4, vm0, $0xb8;
	[tilespmem:$0x10080] =	vst v63  }
0x83: {  	_ = 	snop  }
0x84: {  	[hbm4b:s6+s2] =	stream.indirect_vreg.scatter [tilespmem:s22], [sflag:$0x1], $0x80, v4, vm0, $0xb8;
	[tilespmem:$0x10080] =	vst v63  }
0x85: {  	_ = 	snop  }
0x86: {  	[hbm4b:s3+s2] =	stream.indirect_vreg.scatter [tilespmem:s23], [sflag:$0x1], $0x80, v3, vm0, $0xb8;
	[tilespmem:$0x10080] =	vst v63  }
0x87: {  	_ = 	snop  }
0x88: {  	[hbm4b:s4+s2] =	stream.indirect_vreg.scatter [tilespmem:s24], [sflag:$0x1], $0x80, v3, vm0, $0xb8;
	[tilespmem:$0x10080] =	vst v63  }
0x89: {  	_ = 	snop  }
0x8a: {  	[hbm4b:s5+s2] =	stream.indirect_vreg.scatter [tilespmem:s25], [sflag:$0x1], $0x80, v3, vm0, $0xb8;
	[tilespmem:$0x10080] =	vst v63  }
0x8b: {  	_ = 	snop  }
0x8c: {  	[hbm4b:s6+s2] =	stream.indirect_vreg.scatter [tilespmem:s26], [sflag:$0x1], $0x80, v3, vm0, $0xb8;
	[tilespmem:$0x10080] =	vst v63  }
0x8d: {  	v3 =	vld [tilespmem:$0x10];
	_ =	sdelay $0x4  }
0x8e: {  	v61 =	vshll.u32 v3, $0x3  }
0x8f: {  	v3 =	vand.u32 $0x7, v3;
	v4 =	vand.u32 $0xFFFFFFC0, v61  }
0x90: {  	v3 =	vor.u32 v3, v4  }
0x91: {  	v4 =	vperm.xlane v3, v0;
	_ =	sdelay $0x1  }
0x92: {  	v4 =	vadd.s32 v1, v4;
	_ =	sdelay $0x4  }
0x93: {  	[hbm4b:s3+s2] =	stream.indirect_vreg.scatter [tilespmem:s28], [sflag:$0x1], $0x80, v4, vm0, $0xb8;
	[tilespmem:$0x10080] =	vst v63  }
0x94: {  	v3 =	vperm.xlane v3, v2  }
0x95: {  	[hbm4b:s4+s2] =	stream.indirect_vreg.scatter [tilespmem:s29], [sflag:$0x1], $0x80, v4, vm0, $0xb8;
	[tilespmem:$0x10080] =	vst v63  }
0x96: {  	v3 =	vadd.s32 v1, v3  }
0x97: {  	[hbm4b:s5+s2] =	stream.indirect_vreg.scatter [tilespmem:s30], [sflag:$0x1], $0x80, v4, vm0, $0xb8;
	[tilespmem:$0x10080] =	vst v63  }
0x98: {  	_ = 	snop  }
0x99: {  	[hbm4b:s6+s2] =	stream.indirect_vreg.scatter [tilespmem:s31], [sflag:$0x1], $0x80, v4, vm0, $0xb8;
	[tilespmem:$0x10080] =	vst v63  }
0x9a: {  	_ = 	snop  }
0x9b: {  	[hbm4b:s3+s2] =	stream.indirect_vreg.scatter [tilespmem:s1], [sflag:$0x1], $0x80, v3, vm0, $0xb8;
	[tilespmem:$0x10080] =	vst v63  }
0x9c: {  	s19 =	simm.s32 $0x6880  }
0x9d: {  	[hbm4b:s4+s2] =	stream.indirect_vreg.scatter [tilespmem:s19], [sflag:$0x1], $0x80, v3, vm0, $0xb8;
	[tilespmem:$0x10080] =	vst v63  }
0x9e: {  	_ = 	snop  }
0x9f: {  	[hbm4b:s5+s2] =	stream.indirect_vreg.scatter [tilespmem:s10], [sflag:$0x1], $0x80, v3, vm0, $0xb8;
	[tilespmem:$0x10080] =	vst v63  }
0xa0: {  	_ = 	snop  }
0xa1: {  	[hbm4b:s6+s2] =	stream.indirect_vreg.scatter [tilespmem:s11], [sflag:$0x1], $0x80, v3, vm0, $0xb8;
	[tilespmem:$0x10080] =	vst v63  }
0xa2: {  	v3 =	vld [tilespmem:$0x20];
	_ =	sdelay $0x4  }
0xa3: {  	v62 =	vshll.u32 v3, $0x3  }
0xa4: {  	v3 =	vand.u32 $0x7, v3;
	v4 =	vand.u32 $0xFFFFFFC0, v62  }
0xa5: {  	v3 =	vor.u32 v3, v4  }
0xa6: {  	v4 =	vperm.xlane v3, v0;
	_ =	sdelay $0x1  }
0xa7: {  	v4 =	vadd.s32 v1, v4;
	_ =	sdelay $0x4  }
0xa8: {  	[hbm4b:s3+s2] =	stream.indirect_vreg.scatter [tilespmem:s12], [sflag:$0x1], $0x80, v4, vm0, $0xb8;
	[tilespmem:$0x10080] =	vst v63  }
0xa9: {  	v3 =	vperm.xlane v3, v2  }
0xaa: {  	[hbm4b:s4+s2] =	stream.indirect_vreg.scatter [tilespmem:s13], [sflag:$0x1], $0x80, v4, vm0, $0xb8;
	[tilespmem:$0x10080] =	vst v63  }
0xab: {  	v3 =	vadd.s32 v1, v3  }
0xac: {  	[hbm4b:s5+s2] =	stream.indirect_vreg.scatter [tilespmem:s14], [sflag:$0x1], $0x80, v4, vm0, $0xb8;
	[tilespmem:$0x10080] =	vst v63  }
0xad: {  	_ = 	snop  }
0xae: {  	[hbm4b:s6+s2] =	stream.indirect_vreg.scatter [tilespmem:s15], [sflag:$0x1], $0x80, v4, vm0, $0xb8;
	[tilespmem:$0x10080] =	vst v63  }
0xaf: {  	_ = 	snop  }
0xb0: {  	[hbm4b:s3+s2] =	stream.indirect_vreg.scatter [tilespmem:s16], [sflag:$0x1], $0x80, v3, vm0, $0xb8;
	[tilespmem:$0x10080] =	vst v63  }
0xb1: {  	_ = 	snop  }
0xb2: {  	[hbm4b:s4+s2] =	stream.indirect_vreg.scatter [tilespmem:s17], [sflag:$0x1], $0x80, v3, vm0, $0xb8;
	[tilespmem:$0x10080] =	vst v63  }
0xb3: {  	_ = 	snop  }
0xb4: {  	[hbm4b:s5+s2] =	stream.indirect_vreg.scatter [tilespmem:s8], [sflag:$0x1], $0x80, v3, vm0, $0xb8;
	[tilespmem:$0x10080] =	vst v63  }
0xb5: {  	s19 =	simm.s32 $0xB880  }
0xb6: {  	[hbm4b:s6+s2] =	stream.indirect_vreg.scatter [tilespmem:s19], [sflag:$0x1], $0x80, v3, vm0, $0xb8;
	[tilespmem:$0x10080] =	vst v63  }
0xb7: {  	v3 =	vld [tilespmem:$0x30];
	_ =	sdelay $0x4  }
0xb8: {  	v63 =	vshll.u32 v3, $0x3  }
0xb9: {  	v3 =	vand.u32 $0x7, v3;
	v4 =	vand.u32 $0xFFFFFFC0, v63  }
0xba: {  	v3 =	vor.u32 v3, v4  }
0xbb: {  	v4 =	vperm.xlane v3, v0;
	_ =	sdelay $0x1  }
0xbc: {  	v4 =	vadd.s32 v1, v4;
	_ =	sdelay $0x3  }
0xbd: {  	s8 =	simm.s32 $0xC080  }
0xbe: {  	[hbm4b:s3+s2] =	stream.indirect_vreg.scatter [tilespmem:s8], [sflag:$0x1], $0x80, v4, vm0, $0xb8;
	[tilespmem:$0x10080] =	vst v63  }
0xbf: {  	s19 =	simm.s32 $0xC880;
	v3 =	vperm.xlane v3, v2  }
0xc0: {  	[hbm4b:s4+s2] =	stream.indirect_vreg.scatter [tilespmem:s19], [sflag:$0x1], $0x80, v4, vm0, $0xb8;
	[tilespmem:$0x10080] =	vst v63  }
0xc1: {  	v3 =	vadd.s32 v1, v3;
	s8 =	simm.s32 $0xD080  }
0xc2: {  	[hbm4b:s5+s2] =	stream.indirect_vreg.scatter [tilespmem:s8], [sflag:$0x1], $0x80, v4, vm0, $0xb8;
	[tilespmem:$0x10080] =	vst v63  }
0xc3: {  	s19 =	simm.s32 $0xD880  }
0xc4: {  	[hbm4b:s6+s2] =	stream.indirect_vreg.scatter [tilespmem:s19], [sflag:$0x1], $0x80, v4, vm0, $0xb8;
	[tilespmem:$0x10080] =	vst v63  }
0xc5: {  	s8 =	simm.s32 $0xE080  }
0xc6: {  	[hbm4b:s3+s2] =	stream.indirect_vreg.scatter [tilespmem:s8], [sflag:$0x1], $0x80, v3, vm0, $0xb8;
	[tilespmem:$0x10080] =	vst v63  }
0xc7: {  	s19 =	simm.s32 $0xE880  }
0xc8: {  	[hbm4b:s4+s2] =	stream.indirect_vreg.scatter [tilespmem:s19], [sflag:$0x1], $0x80, v3, vm0, $0xb8;
	[tilespmem:$0x10080] =	vst v63  }
0xc9: {  	p0 =	sne.s32 s7, $0x1;
	s8 =	simm.s32 $0xF080  }
0xca: {  	[hbm4b:s5+s2] =	stream.indirect_vreg.scatter [tilespmem:s8], [sflag:$0x1], $0x80, v3, vm0, $0xb8;
	[tilespmem:$0x10080] =	vst v63  }
.Ltmp0:
0xcb: {  	s19 =	simm.s32 $0xF880;
	(pc) =	sbr.rel @p0 .LBB2_1-.Ltmp0, $4  }
0xcc: {  	[hbm4b:s6+s2] =	stream.indirect_vreg.scatter [tilespmem:s19], [sflag:$0x1], $0x80, v3, vm0, $0xb8;
	[tilespmem:$0x10080] =	vst v63  }
0xcd: {  	_ =	swait.ge [sflag:s18], $0x10000  }
0xce: {  	[sflag:s18] =	ssyncset.done $0x0  }
0xcf: {  	s7 =	sadd.s32 $0xFFFFFFFF, s7;
	[sflag:s18] =	ssyncadd.s32 $0xFFFF0000  }
0xd0: {  	_ =	sfence.sel $0x180000  }
0xd1: {  	[bflag:$0x0] =	sbarrier.arrive $0xFFFF  }
0xd2: {  	_ =	strace $0x90000047  }
0xd3: {  	s0 =	stileid.u32;
	[bflag:$0x2] =	sbarrier.arrive $0xFFFF  }
0xd4: {  	p0 =	sne.s32 s0, $0x0;
	s0 =	rddreg [dreg:$0x3]  }
0xd5: {  	s0 =	sadd.s32 @!p0 $0x100000, s0  }
0xd6: {  	[sflag:s0] =	ssyncadd.tile.s32 @!p0 $0x1;
	_ =	shalt  }
.Lfunc_end2:
_tile_overlayer_lowered:
.L_overlay_start_2:
0xd7: {  	(tag) =	ssettag $0x2  }
0xd8: {  	s0 =	rddreg [dreg:$0x0];
	s2 =	stileid.u32  }
0xd9: {  	s1 =	rddreg [dreg:$0x1];
	p0 =	sne.s32 s2, $0x0  }
0xda: {  	s3 =	rddreg [dreg:$0x2];
	[bflag:$0x3] =	sbarrier.arrive $0xFFFF;
	s2 =	simm.s32 @!p0 $0x1C02  }
0xdb: {  	[timem:s3], [sflag:s2] =	dma.local @!p0 [hbm:s0], s1  }
0xdc: {  	s0 =	simm.s32 @!p0 $0x2  }
0xdd: {  	_ =	swait.ge @!p0 [sflag:s0], s1  }
0xde: {  	s1 =	ssub.s32 @!p0 $0x0, s1;
	[sflag:s0] =	ssyncset.done @!p0 $0x0  }
0xdf: {  	[sflag:s0] =	ssyncadd.s32 @!p0 s1  }
0xe0: {  	[bflag:$0x3] =	sbarrier.arrive $0xFFFF  }
0xe1: {  	_ =	shalt  }

</sc_bundles>
